<compile_context>
chip_gen: v7x
topology: tpu7x:2x2x1
jax: 0.10.2.dev20260603
libtpu: 0.0.44.dev20260713+nightly
codegen_flags: <defaults>
</compile_context>

<pallas_src>
import functools

import jax
import jax.numpy as jnp
from jax import lax
from jax.experimental import pallas as pl
from jax.experimental.pallas import tpu as pltpu
from jax.experimental.pallas import tpu_sc as plsc

B = 4096
L = 201
D = 64
N = B * L
NC = 2
NS = 16
NW = NC * NS
NR = N // NW
CHUNK = 128
NCH = NR // CHUNK
NBUF = 6
NMAIN = (NCH // NBUF) * NBUF

_MESH = plsc.VectorSubcoreMesh(
    core_axis_name="c", subcore_axis_name="s", num_cores=NC, num_subcores=NS
)


@functools.partial(
    pl.kernel,
    out_type=jax.ShapeDtypeStruct((N, D), jnp.float32),
    mesh=_MESH,
    scratch_types=[
        pltpu.VMEM((NCH, CHUNK), jnp.int32),
        pltpu.VMEM((NBUF, CHUNK, D), jnp.float32),
        pltpu.SemaphoreType.DMA((NBUF,)),
        pltpu.SemaphoreType.DMA((NBUF,)),
    ],
    compiler_params=pltpu.CompilerParams(use_tc_tiling_on_sc=False),
)
def _gather(table_hbm, idx_hbm, out_hbm, idx_v, rows_v, gsem, ssem):
    wid = lax.axis_index("s") * NC + lax.axis_index("c")
    pltpu.sync_copy(idx_hbm.at[wid], idx_v)
    base = wid * NR

    def gather_desc(c, b):
        return pltpu.make_async_copy(
            table_hbm.at[idx_v.at[c]], rows_v.at[b], gsem.at[b]
        )

    def store_desc(c, b):
        return pltpu.make_async_copy(
            rows_v.at[b], out_hbm.at[pl.ds(base + c * CHUNK, CHUNK)], ssem.at[b]
        )

    for b in range(NBUF):
        gather_desc(b, b).start()

    @pl.loop(0, NMAIN, step=NBUF)
    def _outer(j):
        for b in range(NBUF):
            c = j + b
            gather_desc(c, b).wait()
            store_desc(c, b).start()

            @pl.when(c + NBUF < NCH)
            def _refill():
                store_desc(c, b).wait()
                gather_desc(c + NBUF, b).start()

    for r in range(NMAIN, NCH):
        b = r % NBUF
        gather_desc(r, b).wait()
        store_desc(r, b).start()

    for c in range(NCH - NBUF, NCH):
        store_desc(c, c % NBUF).wait()


def kernel(w, embedding_weight):
    idx = w.reshape(NW, NCH, CHUNK)
    out = _gather(embedding_weight, idx)
    return out.reshape(B, L, D)

# --- scband reference (transcript-rebuilt; emitter-appended) ---
"""Pipeline reference for scband-discretizer-71090298684074 (READ-ONLY COPY).

The authoritative reference and input builder live on the scoring server;
editing this copy changes nothing except your own understanding.
"""

import jax, jax.numpy as jnp
import numpy as np

B = 4096
L = 201  # 1 + max_length
VOCAB_SIZE = 100000
NUM_TOKENS = 2 + VOCAB_SIZE  # pad + eos + vocab
DIM_H = 64


def setup_inputs(seed: int = 0) -> dict:
    key = jax.random.key(seed)
    k_idx, k_emb, k_sos = jax.random.split(key, 3)
    # token ids in [0, NUM_TOKENS): includes pad=0, eos=1, chars>=2
    w = jax.random.randint(k_idx, (B, L), 0, NUM_TOKENS, dtype=jnp.int32)
    # learned embedding table (SafeEmbedding weight), sized per init_kwargs
    embedding_weight = jax.random.normal(k_emb, (NUM_TOKENS, DIM_H), dtype=jnp.float32)
    return {"w": w, "embedding_weight": embedding_weight}


def reference(w, embedding_weight):
    # Discretizer embedding lookup: self.embedding(w)
    # SafeEmbedding == nn.Embedding row gather for in-range indices.
    return jnp.take(embedding_weight, w, axis=0)

if __name__ == "__main__":
    import jax
    _d = setup_inputs()
    print(jax.jit(kernel)(*tuple(_d.values())))

</pallas_src>

<mosaic_0001>
#map = affine_map<(d0, d1) -> (0, 0)>
#map1 = affine_map<(d0, d1) -> (0, 0, 0)>
module attributes {stable_mosaic.version = 14 : i64} {
  func.func @_gather(%arg0: i32, %arg1: i32, %arg2: memref<100002x64xf32, #tpu.memory_space<hbm>>, %arg3: memref<32x201x128xi32, #tpu.memory_space<hbm>>, %arg4: memref<823296x64xf32, #tpu.memory_space<hbm>>, %arg5: memref<201x128xi32, #tpu.memory_space<vmem>>, %arg6: memref<6x128x64xf32, #tpu.memory_space<vmem>>, %arg7: memref<6x!tpu.dma_semaphore, #tpu.memory_space<semaphore_mem>>, %arg8: memref<6x!tpu.dma_semaphore, #tpu.memory_space<semaphore_mem>>) attributes {dimension_semantics = [#tpu.dimension_semantics<core_parallel>, #tpu.dimension_semantics<subcore_parallel>], iteration_bounds = array<i64: 2, 16>, scalar_prefetch = 0 : i64, scratch_operands = 4 : i64, tpu.core_type = #tpu.core_type<sc_vector_subcore>, window_params = [{transform_indices = #map}, {transform_indices = #map1}, {transform_indices = #map}]} {
    %mul3A = arith.constant 2 : i32
    %mul3A_0 = arith.muli %arg1, %mul3A : i32
    %add3A = arith.addi %mul3A_0, %arg0 : i32
    "tpu.region"() ({
      %run_scoped3A = tpu.sem_alloc : memref<!tpu.dma_semaphore, #tpu.memory_space<semaphore_mem>>
      %dma_start3A_302 = arith.constant 0 : i32
      %dma_start3A_303 = arith.constant 0 : i32
      %dma_start3A_304 = tpu.memref_slice %arg3[%add3A, %dma_start3A_302, %dma_start3A_303] : memref<32x201x128xi32, #tpu.memory_space<hbm>> -> memref<1x201x128xi32, #tpu.memory_space<hbm>>
      %dma_start3A_305 = tpu.memref_squeeze %dma_start3A_304 : memref<1x201x128xi32, #tpu.memory_space<hbm>> -> memref<201x128xi32, #tpu.memory_space<hbm>>
      %dma_start3A_306 = arith.constant 0 : i32
      %dma_start3A_307 = arith.constant 0 : i32
      %dma_start3A_308 = tpu.memref_slice %arg3[%add3A, %dma_start3A_306, %dma_start3A_307] : memref<32x201x128xi32, #tpu.memory_space<hbm>> -> memref<1x201x128xi32, #tpu.memory_space<hbm>>
      %dma_start3A_309 = tpu.memref_squeeze %dma_start3A_308 : memref<1x201x128xi32, #tpu.memory_space<hbm>> -> memref<201x128xi32, #tpu.memory_space<hbm>>
      tpu.enqueue_dma source(%dma_start3A_309 : memref<201x128xi32, #tpu.memory_space<hbm>>) target(%arg5 : memref<201x128xi32, #tpu.memory_space<vmem>>) target_semaphore(%run_scoped3A : memref<!tpu.dma_semaphore, #tpu.memory_space<semaphore_mem>>)
      %dma_wait3A_310 = arith.constant 0 : i32
      %dma_wait3A_311 = arith.constant 0 : i32
      %dma_wait3A_312 = tpu.memref_slice %arg3[%add3A, %dma_wait3A_310, %dma_wait3A_311] : memref<32x201x128xi32, #tpu.memory_space<hbm>> -> memref<1x201x128xi32, #tpu.memory_space<hbm>>
      %dma_wait3A_313 = tpu.memref_squeeze %dma_wait3A_312 : memref<1x201x128xi32, #tpu.memory_space<hbm>> -> memref<201x128xi32, #tpu.memory_space<hbm>>
      %dma_wait3A_314 = arith.constant 0 : i32
      %dma_wait3A_315 = arith.constant 0 : i32
      %dma_wait3A_316 = tpu.memref_slice %arg3[%add3A, %dma_wait3A_314, %dma_wait3A_315] : memref<32x201x128xi32, #tpu.memory_space<hbm>> -> memref<1x201x128xi32, #tpu.memory_space<hbm>>
      %dma_wait3A_317 = tpu.memref_squeeze %dma_wait3A_316 : memref<1x201x128xi32, #tpu.memory_space<hbm>> -> memref<201x128xi32, #tpu.memory_space<hbm>>
      tpu.wait_dma2 semaphore(%run_scoped3A : memref<!tpu.dma_semaphore, #tpu.memory_space<semaphore_mem>>) src(%dma_wait3A_317 : memref<201x128xi32, #tpu.memory_space<hbm>>) dst(%arg5 : memref<201x128xi32, #tpu.memory_space<vmem>>)
      tpu.yield
    }) : () -> ()
    %mul3A_1 = arith.constant 25728 : i32
    %mul3A_2 = arith.muli %add3A, %mul3A_1 : i32
    %dma_start3A = arith.constant 0 : i32
    %dma_start3A_3 = arith.constant 0 : i32
    %dma_start3A_4 = arith.constant 0 : i32
    %dma_start3A_5 = arith.constant 0 : i32
    %dma_start3A_6 = arith.constant 0 : i32
    %dma_start3A_7 = tpu.memref_slice %arg6[%dma_start3A_3, %dma_start3A_5, %dma_start3A_6] : memref<6x128x64xf32, #tpu.memory_space<vmem>> -> memref<1x128x64xf32, #tpu.memory_space<vmem>>
    %dma_start3A_8 = tpu.memref_squeeze %dma_start3A_7 : memref<1x128x64xf32, #tpu.memory_space<vmem>> -> memref<128x64xf32, #tpu.memory_space<vmem>>
    %dma_start3A_9 = arith.constant 0 : i32
    %dma_start3A_10 = tpu.memref_slice %arg5[%dma_start3A, %dma_start3A_9] : memref<201x128xi32, #tpu.memory_space<vmem>> -> memref<1x128xi32, #tpu.memory_space<vmem>>
    %dma_start3A_11 = tpu.memref_squeeze %dma_start3A_10 : memref<1x128xi32, #tpu.memory_space<vmem>> -> memref<128xi32, #tpu.memory_space<vmem>>
    %dma_start3A_12 = arith.constant 0 : i32
    %dma_start3A_13 = arith.constant 0 : i32
    %dma_start3A_14 = tpu.memref_slice %arg2[%dma_start3A_12, %dma_start3A_13] : memref<100002x64xf32, #tpu.memory_space<hbm>> -> memref<100002x64xf32, #tpu.memory_space<hbm>>
    %dma_start3A_15 = tpu.memref_slice %arg7[%dma_start3A_4] : memref<6x!tpu.dma_semaphore, #tpu.memory_space<semaphore_mem>> -> memref<1x!tpu.dma_semaphore, #tpu.memory_space<semaphore_mem>>
    %dma_start3A_16 = tpu.memref_squeeze %dma_start3A_15 : memref<1x!tpu.dma_semaphore, #tpu.memory_space<semaphore_mem>> -> memref<!tpu.dma_semaphore, #tpu.memory_space<semaphore_mem>>
    tpu.enqueue_indirect_dma source(%dma_start3A_14 : memref<100002x64xf32, #tpu.memory_space<hbm>>) target(%dma_start3A_8 : memref<128x64xf32, #tpu.memory_space<vmem>>) offsets(%dma_start3A_11 : memref<128xi32, #tpu.memory_space<vmem>>) semaphore(%dma_start3A_16 : memref<!tpu.dma_semaphore, #tpu.memory_space<semaphore_mem>>)
    %dma_start3A_17 = arith.constant 1 : i32
    %dma_start3A_18 = arith.constant 1 : i32
    %dma_start3A_19 = arith.constant 1 : i32
    %dma_start3A_20 = arith.constant 0 : i32
    %dma_start3A_21 = arith.constant 0 : i32
    %dma_start3A_22 = tpu.memref_slice %arg6[%dma_start3A_18, %dma_start3A_20, %dma_start3A_21] : memref<6x128x64xf32, #tpu.memory_space<vmem>> -> memref<1x128x64xf32, #tpu.memory_space<vmem>>
    %dma_start3A_23 = tpu.memref_squeeze %dma_start3A_22 : memref<1x128x64xf32, #tpu.memory_space<vmem>> -> memref<128x64xf32, #tpu.memory_space<vmem>>
    %dma_start3A_24 = arith.constant 0 : i32
    %dma_start3A_25 = tpu.memref_slice %arg5[%dma_start3A_17, %dma_start3A_24] : memref<201x128xi32, #tpu.memory_space<vmem>> -> memref<1x128xi32, #tpu.memory_space<vmem>>
    %dma_start3A_26 = tpu.memref_squeeze %dma_start3A_25 : memref<1x128xi32, #tpu.memory_space<vmem>> -> memref<128xi32, #tpu.memory_space<vmem>>
    %dma_start3A_27 = arith.constant 0 : i32
    %dma_start3A_28 = arith.constant 0 : i32
    %dma_start3A_29 = tpu.memref_slice %arg2[%dma_start3A_27, %dma_start3A_28] : memref<100002x64xf32, #tpu.memory_space<hbm>> -> memref<100002x64xf32, #tpu.memory_space<hbm>>
    %dma_start3A_30 = tpu.memref_slice %arg7[%dma_start3A_19] : memref<6x!tpu.dma_semaphore, #tpu.memory_space<semaphore_mem>> -> memref<1x!tpu.dma_semaphore, #tpu.memory_space<semaphore_mem>>
    %dma_start3A_31 = tpu.memref_squeeze %dma_start3A_30 : memref<1x!tpu.dma_semaphore, #tpu.memory_space<semaphore_mem>> -> memref<!tpu.dma_semaphore, #tpu.memory_space<semaphore_mem>>
    tpu.enqueue_indirect_dma source(%dma_start3A_29 : memref<100002x64xf32, #tpu.memory_space<hbm>>) target(%dma_start3A_23 : memref<128x64xf32, #tpu.memory_space<vmem>>) offsets(%dma_start3A_26 : memref<128xi32, #tpu.memory_space<vmem>>) semaphore(%dma_start3A_31 : memref<!tpu.dma_semaphore, #tpu.memory_space<semaphore_mem>>)
    %dma_start3A_32 = arith.constant 2 : i32
    %dma_start3A_33 = arith.constant 2 : i32
    %dma_start3A_34 = arith.constant 2 : i32
    %dma_start3A_35 = arith.constant 0 : i32
    %dma_start3A_36 = arith.constant 0 : i32
    %dma_start3A_37 = tpu.memref_slice %arg6[%dma_start3A_33, %dma_start3A_35, %dma_start3A_36] : memref<6x128x64xf32, #tpu.memory_space<vmem>> -> memref<1x128x64xf32, #tpu.memory_space<vmem>>
    %dma_start3A_38 = tpu.memref_squeeze %dma_start3A_37 : memref<1x128x64xf32, #tpu.memory_space<vmem>> -> memref<128x64xf32, #tpu.memory_space<vmem>>
    %dma_start3A_39 = arith.constant 0 : i32
    %dma_start3A_40 = tpu.memref_slice %arg5[%dma_start3A_32, %dma_start3A_39] : memref<201x128xi32, #tpu.memory_space<vmem>> -> memref<1x128xi32, #tpu.memory_space<vmem>>
    %dma_start3A_41 = tpu.memref_squeeze %dma_start3A_40 : memref<1x128xi32, #tpu.memory_space<vmem>> -> memref<128xi32, #tpu.memory_space<vmem>>
    %dma_start3A_42 = arith.constant 0 : i32
    %dma_start3A_43 = arith.constant 0 : i32
    %dma_start3A_44 = tpu.memref_slice %arg2[%dma_start3A_42, %dma_start3A_43] : memref<100002x64xf32, #tpu.memory_space<hbm>> -> memref<100002x64xf32, #tpu.memory_space<hbm>>
    %dma_start3A_45 = tpu.memref_slice %arg7[%dma_start3A_34] : memref<6x!tpu.dma_semaphore, #tpu.memory_space<semaphore_mem>> -> memref<1x!tpu.dma_semaphore, #tpu.memory_space<semaphore_mem>>
    %dma_start3A_46 = tpu.memref_squeeze %dma_start3A_45 : memref<1x!tpu.dma_semaphore, #tpu.memory_space<semaphore_mem>> -> memref<!tpu.dma_semaphore, #tpu.memory_space<semaphore_mem>>
    tpu.enqueue_indirect_dma source(%dma_start3A_44 : memref<100002x64xf32, #tpu.memory_space<hbm>>) target(%dma_start3A_38 : memref<128x64xf32, #tpu.memory_space<vmem>>) offsets(%dma_start3A_41 : memref<128xi32, #tpu.memory_space<vmem>>) semaphore(%dma_start3A_46 : memref<!tpu.dma_semaphore, #tpu.memory_space<semaphore_mem>>)
    %dma_start3A_47 = arith.constant 3 : i32
    %dma_start3A_48 = arith.constant 3 : i32
    %dma_start3A_49 = arith.constant 3 : i32
    %dma_start3A_50 = arith.constant 0 : i32
    %dma_start3A_51 = arith.constant 0 : i32
    %dma_start3A_52 = tpu.memref_slice %arg6[%dma_start3A_48, %dma_start3A_50, %dma_start3A_51] : memref<6x128x64xf32, #tpu.memory_space<vmem>> -> memref<1x128x64xf32, #tpu.memory_space<vmem>>
    %dma_start3A_53 = tpu.memref_squeeze %dma_start3A_52 : memref<1x128x64xf32, #tpu.memory_space<vmem>> -> memref<128x64xf32, #tpu.memory_space<vmem>>
    %dma_start3A_54 = arith.constant 0 : i32
    %dma_start3A_55 = tpu.memref_slice %arg5[%dma_start3A_47, %dma_start3A_54] : memref<201x128xi32, #tpu.memory_space<vmem>> -> memref<1x128xi32, #tpu.memory_space<vmem>>
    %dma_start3A_56 = tpu.memref_squeeze %dma_start3A_55 : memref<1x128xi32, #tpu.memory_space<vmem>> -> memref<128xi32, #tpu.memory_space<vmem>>
    %dma_start3A_57 = arith.constant 0 : i32
    %dma_start3A_58 = arith.constant 0 : i32
    %dma_start3A_59 = tpu.memref_slice %arg2[%dma_start3A_57, %dma_start3A_58] : memref<100002x64xf32, #tpu.memory_space<hbm>> -> memref<100002x64xf32, #tpu.memory_space<hbm>>
    %dma_start3A_60 = tpu.memref_slice %arg7[%dma_start3A_49] : memref<6x!tpu.dma_semaphore, #tpu.memory_space<semaphore_mem>> -> memref<1x!tpu.dma_semaphore, #tpu.memory_space<semaphore_mem>>
    %dma_start3A_61 = tpu.memref_squeeze %dma_start3A_60 : memref<1x!tpu.dma_semaphore, #tpu.memory_space<semaphore_mem>> -> memref<!tpu.dma_semaphore, #tpu.memory_space<semaphore_mem>>
    tpu.enqueue_indirect_dma source(%dma_start3A_59 : memref<100002x64xf32, #tpu.memory_space<hbm>>) target(%dma_start3A_53 : memref<128x64xf32, #tpu.memory_space<vmem>>) offsets(%dma_start3A_56 : memref<128xi32, #tpu.memory_space<vmem>>) semaphore(%dma_start3A_61 : memref<!tpu.dma_semaphore, #tpu.memory_space<semaphore_mem>>)
    %dma_start3A_62 = arith.constant 4 : i32
    %dma_start3A_63 = arith.constant 4 : i32
    %dma_start3A_64 = arith.constant 4 : i32
    %dma_start3A_65 = arith.constant 0 : i32
    %dma_start3A_66 = arith.constant 0 : i32
    %dma_start3A_67 = tpu.memref_slice %arg6[%dma_start3A_63, %dma_start3A_65, %dma_start3A_66] : memref<6x128x64xf32, #tpu.memory_space<vmem>> -> memref<1x128x64xf32, #tpu.memory_space<vmem>>
    %dma_start3A_68 = tpu.memref_squeeze %dma_start3A_67 : memref<1x128x64xf32, #tpu.memory_space<vmem>> -> memref<128x64xf32, #tpu.memory_space<vmem>>
    %dma_start3A_69 = arith.constant 0 : i32
    %dma_start3A_70 = tpu.memref_slice %arg5[%dma_start3A_62, %dma_start3A_69] : memref<201x128xi32, #tpu.memory_space<vmem>> -> memref<1x128xi32, #tpu.memory_space<vmem>>
    %dma_start3A_71 = tpu.memref_squeeze %dma_start3A_70 : memref<1x128xi32, #tpu.memory_space<vmem>> -> memref<128xi32, #tpu.memory_space<vmem>>
    %dma_start3A_72 = arith.constant 0 : i32
    %dma_start3A_73 = arith.constant 0 : i32
    %dma_start3A_74 = tpu.memref_slice %arg2[%dma_start3A_72, %dma_start3A_73] : memref<100002x64xf32, #tpu.memory_space<hbm>> -> memref<100002x64xf32, #tpu.memory_space<hbm>>
    %dma_start3A_75 = tpu.memref_slice %arg7[%dma_start3A_64] : memref<6x!tpu.dma_semaphore, #tpu.memory_space<semaphore_mem>> -> memref<1x!tpu.dma_semaphore, #tpu.memory_space<semaphore_mem>>
    %dma_start3A_76 = tpu.memref_squeeze %dma_start3A_75 : memref<1x!tpu.dma_semaphore, #tpu.memory_space<semaphore_mem>> -> memref<!tpu.dma_semaphore, #tpu.memory_space<semaphore_mem>>
    tpu.enqueue_indirect_dma source(%dma_start3A_74 : memref<100002x64xf32, #tpu.memory_space<hbm>>) target(%dma_start3A_68 : memref<128x64xf32, #tpu.memory_space<vmem>>) offsets(%dma_start3A_71 : memref<128xi32, #tpu.memory_space<vmem>>) semaphore(%dma_start3A_76 : memref<!tpu.dma_semaphore, #tpu.memory_space<semaphore_mem>>)
    %dma_start3A_77 = arith.constant 5 : i32
    %dma_start3A_78 = arith.constant 5 : i32
    %dma_start3A_79 = arith.constant 5 : i32
    %dma_start3A_80 = arith.constant 0 : i32
    %dma_start3A_81 = arith.constant 0 : i32
    %dma_start3A_82 = tpu.memref_slice %arg6[%dma_start3A_78, %dma_start3A_80, %dma_start3A_81] : memref<6x128x64xf32, #tpu.memory_space<vmem>> -> memref<1x128x64xf32, #tpu.memory_space<vmem>>
    %dma_start3A_83 = tpu.memref_squeeze %dma_start3A_82 : memref<1x128x64xf32, #tpu.memory_space<vmem>> -> memref<128x64xf32, #tpu.memory_space<vmem>>
    %dma_start3A_84 = arith.constant 0 : i32
    %dma_start3A_85 = tpu.memref_slice %arg5[%dma_start3A_77, %dma_start3A_84] : memref<201x128xi32, #tpu.memory_space<vmem>> -> memref<1x128xi32, #tpu.memory_space<vmem>>
    %dma_start3A_86 = tpu.memref_squeeze %dma_start3A_85 : memref<1x128xi32, #tpu.memory_space<vmem>> -> memref<128xi32, #tpu.memory_space<vmem>>
    %dma_start3A_87 = arith.constant 0 : i32
    %dma_start3A_88 = arith.constant 0 : i32
    %dma_start3A_89 = tpu.memref_slice %arg2[%dma_start3A_87, %dma_start3A_88] : memref<100002x64xf32, #tpu.memory_space<hbm>> -> memref<100002x64xf32, #tpu.memory_space<hbm>>
    %dma_start3A_90 = tpu.memref_slice %arg7[%dma_start3A_79] : memref<6x!tpu.dma_semaphore, #tpu.memory_space<semaphore_mem>> -> memref<1x!tpu.dma_semaphore, #tpu.memory_space<semaphore_mem>>
    %dma_start3A_91 = tpu.memref_squeeze %dma_start3A_90 : memref<1x!tpu.dma_semaphore, #tpu.memory_space<semaphore_mem>> -> memref<!tpu.dma_semaphore, #tpu.memory_space<semaphore_mem>>
    tpu.enqueue_indirect_dma source(%dma_start3A_89 : memref<100002x64xf32, #tpu.memory_space<hbm>>) target(%dma_start3A_83 : memref<128x64xf32, #tpu.memory_space<vmem>>) offsets(%dma_start3A_86 : memref<128xi32, #tpu.memory_space<vmem>>) semaphore(%dma_start3A_91 : memref<!tpu.dma_semaphore, #tpu.memory_space<semaphore_mem>>)
    %scan3A = arith.constant 0 : i32
    %scan3A_92 = arith.constant 33 : i32
    %scan3A_93 = arith.addi %scan3A, %scan3A_92 : i32
    %scan3A_94 = arith.constant 1 : i32
    scf.for %scan3A_302 = %scan3A to %scan3A_93 step %scan3A_94  : i32 {
      %mul3A_303 = arith.constant 6 : i32
      %mul3A_304 = arith.muli %scan3A_302, %mul3A_303 : i32
      %add3A_305 = arith.constant 0 : i32
      %add3A_306 = arith.addi %add3A_305, %mul3A_304 : i32
      %add3A_307 = arith.constant 0 : i32
      %add3A_308 = arith.addi %add3A_306, %add3A_307 : i32
      %dma_wait3A_309 = arith.constant 0 : i32
      %dma_wait3A_310 = arith.constant 0 : i32
      %dma_wait3A_311 = arith.constant 0 : i32
      %dma_wait3A_312 = arith.constant 0 : i32
      %dma_wait3A_313 = tpu.memref_slice %arg6[%dma_wait3A_309, %dma_wait3A_311, %dma_wait3A_312] : memref<6x128x64xf32, #tpu.memory_space<vmem>> -> memref<1x128x64xf32, #tpu.memory_space<vmem>>
      %dma_wait3A_314 = tpu.memref_squeeze %dma_wait3A_313 : memref<1x128x64xf32, #tpu.memory_space<vmem>> -> memref<128x64xf32, #tpu.memory_space<vmem>>
      %dma_wait3A_315 = arith.constant 0 : i32
      %dma_wait3A_316 = tpu.memref_slice %arg5[%add3A_308, %dma_wait3A_315] : memref<201x128xi32, #tpu.memory_space<vmem>> -> memref<1x128xi32, #tpu.memory_space<vmem>>
      %dma_wait3A_317 = tpu.memref_squeeze %dma_wait3A_316 : memref<1x128xi32, #tpu.memory_space<vmem>> -> memref<128xi32, #tpu.memory_space<vmem>>
      %dma_wait3A_318 = arith.constant 0 : i32
      %dma_wait3A_319 = arith.constant 0 : i32
      %dma_wait3A_320 = tpu.memref_slice %arg2[%dma_wait3A_318, %dma_wait3A_319] : memref<100002x64xf32, #tpu.memory_space<hbm>> -> memref<100002x64xf32, #tpu.memory_space<hbm>>
      %dma_wait3A_321 = tpu.memref_slice %arg7[%dma_wait3A_310] : memref<6x!tpu.dma_semaphore, #tpu.memory_space<semaphore_mem>> -> memref<1x!tpu.dma_semaphore, #tpu.memory_space<semaphore_mem>>
      %dma_wait3A_322 = tpu.memref_squeeze %dma_wait3A_321 : memref<1x!tpu.dma_semaphore, #tpu.memory_space<semaphore_mem>> -> memref<!tpu.dma_semaphore, #tpu.memory_space<semaphore_mem>>
      tpu.wait_indirect_dma semaphore(%dma_wait3A_322 : memref<!tpu.dma_semaphore, #tpu.memory_space<semaphore_mem>>) src(%dma_wait3A_320 : memref<100002x64xf32, #tpu.memory_space<hbm>>) dst(%dma_wait3A_314 : memref<128x64xf32, #tpu.memory_space<vmem>>)
      %mul3A_323 = arith.constant 128 : i32
      %mul3A_324 = arith.muli %add3A_308, %mul3A_323 : i32
      %add3A_325 = arith.addi %mul3A_2, %mul3A_324 : i32
      %dma_start3A_326 = arith.constant 0 : i32
      %dma_start3A_327 = arith.constant 0 : i32
      %dma_start3A_328 = arith.constant 0 : i32
      %dma_start3A_329 = arith.constant 0 : i32
      %dma_start3A_330 = tpu.memref_slice %arg6[%dma_start3A_326, %dma_start3A_328, %dma_start3A_329] : memref<6x128x64xf32, #tpu.memory_space<vmem>> -> memref<1x128x64xf32, #tpu.memory_space<vmem>>
      %dma_start3A_331 = tpu.memref_squeeze %dma_start3A_330 : memref<1x128x64xf32, #tpu.memory_space<vmem>> -> memref<128x64xf32, #tpu.memory_space<vmem>>
      %dma_start3A_332 = arith.constant 0 : i32
      %dma_start3A_333 = tpu.memref_slice %arg4[%add3A_325, %dma_start3A_332] : memref<823296x64xf32, #tpu.memory_space<hbm>> -> memref<128x64xf32, #tpu.memory_space<hbm>>
      %dma_start3A_334 = tpu.memref_slice %arg8[%dma_start3A_327] : memref<6x!tpu.dma_semaphore, #tpu.memory_space<semaphore_mem>> -> memref<1x!tpu.dma_semaphore, #tpu.memory_space<semaphore_mem>>
      %dma_start3A_335 = tpu.memref_squeeze %dma_start3A_334 : memref<1x!tpu.dma_semaphore, #tpu.memory_space<semaphore_mem>> -> memref<!tpu.dma_semaphore, #tpu.memory_space<semaphore_mem>>
      %dma_start3A_336 = arith.constant 0 : i32
      %dma_start3A_337 = tpu.memref_slice %arg4[%add3A_325, %dma_start3A_336] : memref<823296x64xf32, #tpu.memory_space<hbm>> -> memref<128x64xf32, #tpu.memory_space<hbm>>
      %dma_start3A_338 = arith.constant 0 : i32
      %dma_start3A_339 = arith.constant 0 : i32
      %dma_start3A_340 = tpu.memref_slice %arg6[%dma_start3A_326, %dma_start3A_338, %dma_start3A_339] : memref<6x128x64xf32, #tpu.memory_space<vmem>> -> memref<1x128x64xf32, #tpu.memory_space<vmem>>
      %dma_start3A_341 = tpu.memref_squeeze %dma_start3A_340 : memref<1x128x64xf32, #tpu.memory_space<vmem>> -> memref<128x64xf32, #tpu.memory_space<vmem>>
      tpu.enqueue_dma source(%dma_start3A_341 : memref<128x64xf32, #tpu.memory_space<vmem>>) target(%dma_start3A_337 : memref<128x64xf32, #tpu.memory_space<hbm>>) target_semaphore(%dma_start3A_335 : memref<!tpu.dma_semaphore, #tpu.memory_space<semaphore_mem>>)
      %add3A_342 = arith.constant 6 : i32
      %add3A_343 = arith.addi %add3A_308, %add3A_342 : i32
      %lt3A = arith.constant 201 : i32
      %lt3A_344 = arith.cmpi slt, %add3A_343, %lt3A : i32
      %convert_element_type3A = arith.extui %lt3A_344 : i1 to i32
      %cond3A = arith.constant 0 : i32
      %cond3A_345 = arith.cmpi ne, %convert_element_type3A, %cond3A : i32
      scf.if %cond3A_345 {
        %mul3A_556 = arith.constant 128 : i32
        %mul3A_557 = arith.muli %add3A_308, %mul3A_556 : i32
        %add3A_558 = arith.addi %mul3A_2, %mul3A_557 : i32
        %dma_wait3A_559 = arith.constant 0 : i32
        %dma_wait3A_560 = arith.constant 0 : i32
        %dma_wait3A_561 = arith.constant 0 : i32
        %dma_wait3A_562 = arith.constant 0 : i32
        %dma_wait3A_563 = tpu.memref_slice %arg6[%dma_wait3A_559, %dma_wait3A_561, %dma_wait3A_562] : memref<6x128x64xf32, #tpu.memory_space<vmem>> -> memref<1x128x64xf32, #tpu.memory_space<vmem>>
        %dma_wait3A_564 = tpu.memref_squeeze %dma_wait3A_563 : memref<1x128x64xf32, #tpu.memory_space<vmem>> -> memref<128x64xf32, #tpu.memory_space<vmem>>
        %dma_wait3A_565 = arith.constant 0 : i32
        %dma_wait3A_566 = tpu.memref_slice %arg4[%add3A_558, %dma_wait3A_565] : memref<823296x64xf32, #tpu.memory_space<hbm>> -> memref<128x64xf32, #tpu.memory_space<hbm>>
        %dma_wait3A_567 = tpu.memref_slice %arg8[%dma_wait3A_560] : memref<6x!tpu.dma_semaphore, #tpu.memory_space<semaphore_mem>> -> memref<1x!tpu.dma_semaphore, #tpu.memory_space<semaphore_mem>>
        %dma_wait3A_568 = tpu.memref_squeeze %dma_wait3A_567 : memref<1x!tpu.dma_semaphore, #tpu.memory_space<semaphore_mem>> -> memref<!tpu.dma_semaphore, #tpu.memory_space<semaphore_mem>>
        %dma_wait3A_569 = arith.constant 0 : i32
        %dma_wait3A_570 = tpu.memref_slice %arg4[%add3A_558, %dma_wait3A_569] : memref<823296x64xf32, #tpu.memory_space<hbm>> -> memref<128x64xf32, #tpu.memory_space<hbm>>
        %dma_wait3A_571 = arith.constant 0 : i32
        %dma_wait3A_572 = arith.constant 0 : i32
        %dma_wait3A_573 = tpu.memref_slice %arg6[%dma_wait3A_559, %dma_wait3A_571, %dma_wait3A_572] : memref<6x128x64xf32, #tpu.memory_space<vmem>> -> memref<1x128x64xf32, #tpu.memory_space<vmem>>
        %dma_wait3A_574 = tpu.memref_squeeze %dma_wait3A_573 : memref<1x128x64xf32, #tpu.memory_space<vmem>> -> memref<128x64xf32, #tpu.memory_space<vmem>>
        tpu.wait_dma2 semaphore(%dma_wait3A_568 : memref<!tpu.dma_semaphore, #tpu.memory_space<semaphore_mem>>) src(%dma_wait3A_574 : memref<128x64xf32, #tpu.memory_space<vmem>>) dst(%dma_wait3A_570 : memref<128x64xf32, #tpu.memory_space<hbm>>)
        %add3A_575 = arith.constant 6 : i32
        %add3A_576 = arith.addi %add3A_308, %add3A_575 : i32
        %dma_start3A_577 = arith.constant 0 : i32
        %dma_start3A_578 = arith.constant 0 : i32
        %dma_start3A_579 = arith.constant 0 : i32
        %dma_start3A_580 = arith.constant 0 : i32
        %dma_start3A_581 = tpu.memref_slice %arg6[%dma_start3A_577, %dma_start3A_579, %dma_start3A_580] : memref<6x128x64xf32, #tpu.memory_space<vmem>> -> memref<1x128x64xf32, #tpu.memory_space<vmem>>
        %dma_start3A_582 = tpu.memref_squeeze %dma_start3A_581 : memref<1x128x64xf32, #tpu.memory_space<vmem>> -> memref<128x64xf32, #tpu.memory_space<vmem>>
        %dma_start3A_583 = arith.constant 0 : i32
        %dma_start3A_584 = tpu.memref_slice %arg5[%add3A_576, %dma_start3A_583] : memref<201x128xi32, #tpu.memory_space<vmem>> -> memref<1x128xi32, #tpu.memory_space<vmem>>
        %dma_start3A_585 = tpu.memref_squeeze %dma_start3A_584 : memref<1x128xi32, #tpu.memory_space<vmem>> -> memref<128xi32, #tpu.memory_space<vmem>>
        %dma_start3A_586 = arith.constant 0 : i32
        %dma_start3A_587 = arith.constant 0 : i32
        %dma_start3A_588 = tpu.memref_slice %arg2[%dma_start3A_586, %dma_start3A_587] : memref<100002x64xf32, #tpu.memory_space<hbm>> -> memref<100002x64xf32, #tpu.memory_space<hbm>>
        %dma_start3A_589 = tpu.memref_slice %arg7[%dma_start3A_578] : memref<6x!tpu.dma_semaphore, #tpu.memory_space<semaphore_mem>> -> memref<1x!tpu.dma_semaphore, #tpu.memory_space<semaphore_mem>>
        %dma_start3A_590 = tpu.memref_squeeze %dma_start3A_589 : memref<1x!tpu.dma_semaphore, #tpu.memory_space<semaphore_mem>> -> memref<!tpu.dma_semaphore, #tpu.memory_space<semaphore_mem>>
        tpu.enqueue_indirect_dma source(%dma_start3A_588 : memref<100002x64xf32, #tpu.memory_space<hbm>>) target(%dma_start3A_582 : memref<128x64xf32, #tpu.memory_space<vmem>>) offsets(%dma_start3A_585 : memref<128xi32, #tpu.memory_space<vmem>>) semaphore(%dma_start3A_590 : memref<!tpu.dma_semaphore, #tpu.memory_space<semaphore_mem>>)
      } else {
      }
      %add3A_346 = arith.constant 1 : i32
      %add3A_347 = arith.addi %add3A_306, %add3A_346 : i32
      %dma_wait3A_348 = arith.constant 1 : i32
      %dma_wait3A_349 = arith.constant 1 : i32
      %dma_wait3A_350 = arith.constant 0 : i32
      %dma_wait3A_351 = arith.constant 0 : i32
      %dma_wait3A_352 = tpu.memref_slice %arg6[%dma_wait3A_348, %dma_wait3A_350, %dma_wait3A_351] : memref<6x128x64xf32, #tpu.memory_space<vmem>> -> memref<1x128x64xf32, #tpu.memory_space<vmem>>
      %dma_wait3A_353 = tpu.memref_squeeze %dma_wait3A_352 : memref<1x128x64xf32, #tpu.memory_space<vmem>> -> memref<128x64xf32, #tpu.memory_space<vmem>>
      %dma_wait3A_354 = arith.constant 0 : i32
      %dma_wait3A_355 = tpu.memref_slice %arg5[%add3A_347, %dma_wait3A_354] : memref<201x128xi32, #tpu.memory_space<vmem>> -> memref<1x128xi32, #tpu.memory_space<vmem>>
      %dma_wait3A_356 = tpu.memref_squeeze %dma_wait3A_355 : memref<1x128xi32, #tpu.memory_space<vmem>> -> memref<128xi32, #tpu.memory_space<vmem>>
      %dma_wait3A_357 = arith.constant 0 : i32
      %dma_wait3A_358 = arith.constant 0 : i32
      %dma_wait3A_359 = tpu.memref_slice %arg2[%dma_wait3A_357, %dma_wait3A_358] : memref<100002x64xf32, #tpu.memory_space<hbm>> -> memref<100002x64xf32, #tpu.memory_space<hbm>>
      %dma_wait3A_360 = tpu.memref_slice %arg7[%dma_wait3A_349] : memref<6x!tpu.dma_semaphore, #tpu.memory_space<semaphore_mem>> -> memref<1x!tpu.dma_semaphore, #tpu.memory_space<semaphore_mem>>
      %dma_wait3A_361 = tpu.memref_squeeze %dma_wait3A_360 : memref<1x!tpu.dma_semaphore, #tpu.memory_space<semaphore_mem>> -> memref<!tpu.dma_semaphore, #tpu.memory_space<semaphore_mem>>
      tpu.wait_indirect_dma semaphore(%dma_wait3A_361 : memref<!tpu.dma_semaphore, #tpu.memory_space<semaphore_mem>>) src(%dma_wait3A_359 : memref<100002x64xf32, #tpu.memory_space<hbm>>) dst(%dma_wait3A_353 : memref<128x64xf32, #tpu.memory_space<vmem>>)
      %mul3A_362 = arith.constant 128 : i32
      %mul3A_363 = arith.muli %add3A_347, %mul3A_362 : i32
      %add3A_364 = arith.addi %mul3A_2, %mul3A_363 : i32
      %dma_start3A_365 = arith.constant 1 : i32
      %dma_start3A_366 = arith.constant 1 : i32
      %dma_start3A_367 = arith.constant 0 : i32
      %dma_start3A_368 = arith.constant 0 : i32
      %dma_start3A_369 = tpu.memref_slice %arg6[%dma_start3A_365, %dma_start3A_367, %dma_start3A_368] : memref<6x128x64xf32, #tpu.memory_space<vmem>> -> memref<1x128x64xf32, #tpu.memory_space<vmem>>
      %dma_start3A_370 = tpu.memref_squeeze %dma_start3A_369 : memref<1x128x64xf32, #tpu.memory_space<vmem>> -> memref<128x64xf32, #tpu.memory_space<vmem>>
      %dma_start3A_371 = arith.constant 0 : i32
      %dma_start3A_372 = tpu.memref_slice %arg4[%add3A_364, %dma_start3A_371] : memref<823296x64xf32, #tpu.memory_space<hbm>> -> memref<128x64xf32, #tpu.memory_space<hbm>>
      %dma_start3A_373 = tpu.memref_slice %arg8[%dma_start3A_366] : memref<6x!tpu.dma_semaphore, #tpu.memory_space<semaphore_mem>> -> memref<1x!tpu.dma_semaphore, #tpu.memory_space<semaphore_mem>>
      %dma_start3A_374 = tpu.memref_squeeze %dma_start3A_373 : memref<1x!tpu.dma_semaphore, #tpu.memory_space<semaphore_mem>> -> memref<!tpu.dma_semaphore, #tpu.memory_space<semaphore_mem>>
      %dma_start3A_375 = arith.constant 0 : i32
      %dma_start3A_376 = tpu.memref_slice %arg4[%add3A_364, %dma_start3A_375] : memref<823296x64xf32, #tpu.memory_space<hbm>> -> memref<128x64xf32, #tpu.memory_space<hbm>>
      %dma_start3A_377 = arith.constant 0 : i32
      %dma_start3A_378 = arith.constant 0 : i32
      %dma_start3A_379 = tpu.memref_slice %arg6[%dma_start3A_365, %dma_start3A_377, %dma_start3A_378] : memref<6x128x64xf32, #tpu.memory_space<vmem>> -> memref<1x128x64xf32, #tpu.memory_space<vmem>>
      %dma_start3A_380 = tpu.memref_squeeze %dma_start3A_379 : memref<1x128x64xf32, #tpu.memory_space<vmem>> -> memref<128x64xf32, #tpu.memory_space<vmem>>
      tpu.enqueue_dma source(%dma_start3A_380 : memref<128x64xf32, #tpu.memory_space<vmem>>) target(%dma_start3A_376 : memref<128x64xf32, #tpu.memory_space<hbm>>) target_semaphore(%dma_start3A_374 : memref<!tpu.dma_semaphore, #tpu.memory_space<semaphore_mem>>)
      %add3A_381 = arith.constant 6 : i32
      %add3A_382 = arith.addi %add3A_347, %add3A_381 : i32
      %lt3A_383 = arith.constant 201 : i32
      %lt3A_384 = arith.cmpi slt, %add3A_382, %lt3A_383 : i32
      %convert_element_type3A_385 = arith.extui %lt3A_384 : i1 to i32
      %cond3A_386 = arith.constant 0 : i32
      %cond3A_387 = arith.cmpi ne, %convert_element_type3A_385, %cond3A_386 : i32
      scf.if %cond3A_387 {
        %mul3A_556 = arith.constant 128 : i32
        %mul3A_557 = arith.muli %add3A_347, %mul3A_556 : i32
        %add3A_558 = arith.addi %mul3A_2, %mul3A_557 : i32
        %dma_wait3A_559 = arith.constant 1 : i32
        %dma_wait3A_560 = arith.constant 1 : i32
        %dma_wait3A_561 = arith.constant 0 : i32
        %dma_wait3A_562 = arith.constant 0 : i32
        %dma_wait3A_563 = tpu.memref_slice %arg6[%dma_wait3A_559, %dma_wait3A_561, %dma_wait3A_562] : memref<6x128x64xf32, #tpu.memory_space<vmem>> -> memref<1x128x64xf32, #tpu.memory_space<vmem>>
        %dma_wait3A_564 = tpu.memref_squeeze %dma_wait3A_563 : memref<1x128x64xf32, #tpu.memory_space<vmem>> -> memref<128x64xf32, #tpu.memory_space<vmem>>
        %dma_wait3A_565 = arith.constant 0 : i32
        %dma_wait3A_566 = tpu.memref_slice %arg4[%add3A_558, %dma_wait3A_565] : memref<823296x64xf32, #tpu.memory_space<hbm>> -> memref<128x64xf32, #tpu.memory_space<hbm>>
        %dma_wait3A_567 = tpu.memref_slice %arg8[%dma_wait3A_560] : memref<6x!tpu.dma_semaphore, #tpu.memory_space<semaphore_mem>> -> memref<1x!tpu.dma_semaphore, #tpu.memory_space<semaphore_mem>>
        %dma_wait3A_568 = tpu.memref_squeeze %dma_wait3A_567 : memref<1x!tpu.dma_semaphore, #tpu.memory_space<semaphore_mem>> -> memref<!tpu.dma_semaphore, #tpu.memory_space<semaphore_mem>>
        %dma_wait3A_569 = arith.constant 0 : i32
        %dma_wait3A_570 = tpu.memref_slice %arg4[%add3A_558, %dma_wait3A_569] : memref<823296x64xf32, #tpu.memory_space<hbm>> -> memref<128x64xf32, #tpu.memory_space<hbm>>
        %dma_wait3A_571 = arith.constant 0 : i32
        %dma_wait3A_572 = arith.constant 0 : i32
        %dma_wait3A_573 = tpu.memref_slice %arg6[%dma_wait3A_559, %dma_wait3A_571, %dma_wait3A_572] : memref<6x128x64xf32, #tpu.memory_space<vmem>> -> memref<1x128x64xf32, #tpu.memory_space<vmem>>
        %dma_wait3A_574 = tpu.memref_squeeze %dma_wait3A_573 : memref<1x128x64xf32, #tpu.memory_space<vmem>> -> memref<128x64xf32, #tpu.memory_space<vmem>>
        tpu.wait_dma2 semaphore(%dma_wait3A_568 : memref<!tpu.dma_semaphore, #tpu.memory_space<semaphore_mem>>) src(%dma_wait3A_574 : memref<128x64xf32, #tpu.memory_space<vmem>>) dst(%dma_wait3A_570 : memref<128x64xf32, #tpu.memory_space<hbm>>)
        %add3A_575 = arith.constant 6 : i32
        %add3A_576 = arith.addi %add3A_347, %add3A_575 : i32
        %dma_start3A_577 = arith.constant 1 : i32
        %dma_start3A_578 = arith.constant 1 : i32
        %dma_start3A_579 = arith.constant 0 : i32
        %dma_start3A_580 = arith.constant 0 : i32
        %dma_start3A_581 = tpu.memref_slice %arg6[%dma_start3A_577, %dma_start3A_579, %dma_start3A_580] : memref<6x128x64xf32, #tpu.memory_space<vmem>> -> memref<1x128x64xf32, #tpu.memory_space<vmem>>
        %dma_start3A_582 = tpu.memref_squeeze %dma_start3A_581 : memref<1x128x64xf32, #tpu.memory_space<vmem>> -> memref<128x64xf32, #tpu.memory_space<vmem>>
        %dma_start3A_583 = arith.constant 0 : i32
        %dma_start3A_584 = tpu.memref_slice %arg5[%add3A_576, %dma_start3A_583] : memref<201x128xi32, #tpu.memory_space<vmem>> -> memref<1x128xi32, #tpu.memory_space<vmem>>
        %dma_start3A_585 = tpu.memref_squeeze %dma_start3A_584 : memref<1x128xi32, #tpu.memory_space<vmem>> -> memref<128xi32, #tpu.memory_space<vmem>>
        %dma_start3A_586 = arith.constant 0 : i32
        %dma_start3A_587 = arith.constant 0 : i32
        %dma_start3A_588 = tpu.memref_slice %arg2[%dma_start3A_586, %dma_start3A_587] : memref<100002x64xf32, #tpu.memory_space<hbm>> -> memref<100002x64xf32, #tpu.memory_space<hbm>>
        %dma_start3A_589 = tpu.memref_slice %arg7[%dma_start3A_578] : memref<6x!tpu.dma_semaphore, #tpu.memory_space<semaphore_mem>> -> memref<1x!tpu.dma_semaphore, #tpu.memory_space<semaphore_mem>>
        %dma_start3A_590 = tpu.memref_squeeze %dma_start3A_589 : memref<1x!tpu.dma_semaphore, #tpu.memory_space<semaphore_mem>> -> memref<!tpu.dma_semaphore, #tpu.memory_space<semaphore_mem>>
        tpu.enqueue_indirect_dma source(%dma_start3A_588 : memref<100002x64xf32, #tpu.memory_space<hbm>>) target(%dma_start3A_582 : memref<128x64xf32, #tpu.memory_space<vmem>>) offsets(%dma_start3A_585 : memref<128xi32, #tpu.memory_space<vmem>>) semaphore(%dma_start3A_590 : memref<!tpu.dma_semaphore, #tpu.memory_space<semaphore_mem>>)
      } else {
      }
      %add3A_388 = arith.constant 2 : i32
      %add3A_389 = arith.addi %add3A_306, %add3A_388 : i32
      %dma_wait3A_390 = arith.constant 2 : i32
      %dma_wait3A_391 = arith.constant 2 : i32
      %dma_wait3A_392 = arith.constant 0 : i32
      %dma_wait3A_393 = arith.constant 0 : i32
      %dma_wait3A_394 = tpu.memref_slice %arg6[%dma_wait3A_390, %dma_wait3A_392, %dma_wait3A_393] : memref<6x128x64xf32, #tpu.memory_space<vmem>> -> memref<1x128x64xf32, #tpu.memory_space<vmem>>
      %dma_wait3A_395 = tpu.memref_squeeze %dma_wait3A_394 : memref<1x128x64xf32, #tpu.memory_space<vmem>> -> memref<128x64xf32, #tpu.memory_space<vmem>>
      %dma_wait3A_396 = arith.constant 0 : i32
      %dma_wait3A_397 = tpu.memref_slice %arg5[%add3A_389, %dma_wait3A_396] : memref<201x128xi32, #tpu.memory_space<vmem>> -> memref<1x128xi32, #tpu.memory_space<vmem>>
      %dma_wait3A_398 = tpu.memref_squeeze %dma_wait3A_397 : memref<1x128xi32, #tpu.memory_space<vmem>> -> memref<128xi32, #tpu.memory_space<vmem>>
      %dma_wait3A_399 = arith.constant 0 : i32
      %dma_wait3A_400 = arith.constant 0 : i32
      %dma_wait3A_401 = tpu.memref_slice %arg2[%dma_wait3A_399, %dma_wait3A_400] : memref<100002x64xf32, #tpu.memory_space<hbm>> -> memref<100002x64xf32, #tpu.memory_space<hbm>>
      %dma_wait3A_402 = tpu.memref_slice %arg7[%dma_wait3A_391] : memref<6x!tpu.dma_semaphore, #tpu.memory_space<semaphore_mem>> -> memref<1x!tpu.dma_semaphore, #tpu.memory_space<semaphore_mem>>
      %dma_wait3A_403 = tpu.memref_squeeze %dma_wait3A_402 : memref<1x!tpu.dma_semaphore, #tpu.memory_space<semaphore_mem>> -> memref<!tpu.dma_semaphore, #tpu.memory_space<semaphore_mem>>
      tpu.wait_indirect_dma semaphore(%dma_wait3A_403 : memref<!tpu.dma_semaphore, #tpu.memory_space<semaphore_mem>>) src(%dma_wait3A_401 : memref<100002x64xf32, #tpu.memory_space<hbm>>) dst(%dma_wait3A_395 : memref<128x64xf32, #tpu.memory_space<vmem>>)
      %mul3A_404 = arith.constant 128 : i32
      %mul3A_405 = arith.muli %add3A_389, %mul3A_404 : i32
      %add3A_406 = arith.addi %mul3A_2, %mul3A_405 : i32
      %dma_start3A_407 = arith.constant 2 : i32
      %dma_start3A_408 = arith.constant 2 : i32
      %dma_start3A_409 = arith.constant 0 : i32
      %dma_start3A_410 = arith.constant 0 : i32
      %dma_start3A_411 = tpu.memref_slice %arg6[%dma_start3A_407, %dma_start3A_409, %dma_start3A_410] : memref<6x128x64xf32, #tpu.memory_space<vmem>> -> memref<1x128x64xf32, #tpu.memory_space<vmem>>
      %dma_start3A_412 = tpu.memref_squeeze %dma_start3A_411 : memref<1x128x64xf32, #tpu.memory_space<vmem>> -> memref<128x64xf32, #tpu.memory_space<vmem>>
      %dma_start3A_413 = arith.constant 0 : i32
      %dma_start3A_414 = tpu.memref_slice %arg4[%add3A_406, %dma_start3A_413] : memref<823296x64xf32, #tpu.memory_space<hbm>> -> memref<128x64xf32, #tpu.memory_space<hbm>>
      %dma_start3A_415 = tpu.memref_slice %arg8[%dma_start3A_408] : memref<6x!tpu.dma_semaphore, #tpu.memory_space<semaphore_mem>> -> memref<1x!tpu.dma_semaphore, #tpu.memory_space<semaphore_mem>>
      %dma_start3A_416 = tpu.memref_squeeze %dma_start3A_415 : memref<1x!tpu.dma_semaphore, #tpu.memory_space<semaphore_mem>> -> memref<!tpu.dma_semaphore, #tpu.memory_space<semaphore_mem>>
      %dma_start3A_417 = arith.constant 0 : i32
      %dma_start3A_418 = tpu.memref_slice %arg4[%add3A_406, %dma_start3A_417] : memref<823296x64xf32, #tpu.memory_space<hbm>> -> memref<128x64xf32, #tpu.memory_space<hbm>>
      %dma_start3A_419 = arith.constant 0 : i32
      %dma_start3A_420 = arith.constant 0 : i32
      %dma_start3A_421 = tpu.memref_slice %arg6[%dma_start3A_407, %dma_start3A_419, %dma_start3A_420] : memref<6x128x64xf32, #tpu.memory_space<vmem>> -> memref<1x128x64xf32, #tpu.memory_space<vmem>>
      %dma_start3A_422 = tpu.memref_squeeze %dma_start3A_421 : memref<1x128x64xf32, #tpu.memory_space<vmem>> -> memref<128x64xf32, #tpu.memory_space<vmem>>
      tpu.enqueue_dma source(%dma_start3A_422 : memref<128x64xf32, #tpu.memory_space<vmem>>) target(%dma_start3A_418 : memref<128x64xf32, #tpu.memory_space<hbm>>) target_semaphore(%dma_start3A_416 : memref<!tpu.dma_semaphore, #tpu.memory_space<semaphore_mem>>)
      %add3A_423 = arith.constant 6 : i32
      %add3A_424 = arith.addi %add3A_389, %add3A_423 : i32
      %lt3A_425 = arith.constant 201 : i32
      %lt3A_426 = arith.cmpi slt, %add3A_424, %lt3A_425 : i32
      %convert_element_type3A_427 = arith.extui %lt3A_426 : i1 to i32
      %cond3A_428 = arith.constant 0 : i32
      %cond3A_429 = arith.cmpi ne, %convert_element_type3A_427, %cond3A_428 : i32
      scf.if %cond3A_429 {
        %mul3A_556 = arith.constant 128 : i32
        %mul3A_557 = arith.muli %add3A_389, %mul3A_556 : i32
        %add3A_558 = arith.addi %mul3A_2, %mul3A_557 : i32
        %dma_wait3A_559 = arith.constant 2 : i32
        %dma_wait3A_560 = arith.constant 2 : i32
        %dma_wait3A_561 = arith.constant 0 : i32
        %dma_wait3A_562 = arith.constant 0 : i32
        %dma_wait3A_563 = tpu.memref_slice %arg6[%dma_wait3A_559, %dma_wait3A_561, %dma_wait3A_562] : memref<6x128x64xf32, #tpu.memory_space<vmem>> -> memref<1x128x64xf32, #tpu.memory_space<vmem>>
        %dma_wait3A_564 = tpu.memref_squeeze %dma_wait3A_563 : memref<1x128x64xf32, #tpu.memory_space<vmem>> -> memref<128x64xf32, #tpu.memory_space<vmem>>
        %dma_wait3A_565 = arith.constant 0 : i32
        %dma_wait3A_566 = tpu.memref_slice %arg4[%add3A_558, %dma_wait3A_565] : memref<823296x64xf32, #tpu.memory_space<hbm>> -> memref<128x64xf32, #tpu.memory_space<hbm>>
        %dma_wait3A_567 = tpu.memref_slice %arg8[%dma_wait3A_560] : memref<6x!tpu.dma_semaphore, #tpu.memory_space<semaphore_mem>> -> memref<1x!tpu.dma_semaphore, #tpu.memory_space<semaphore_mem>>
        %dma_wait3A_568 = tpu.memref_squeeze %dma_wait3A_567 : memref<1x!tpu.dma_semaphore, #tpu.memory_space<semaphore_mem>> -> memref<!tpu.dma_semaphore, #tpu.memory_space<semaphore_mem>>
        %dma_wait3A_569 = arith.constant 0 : i32
        %dma_wait3A_570 = tpu.memref_slice %arg4[%add3A_558, %dma_wait3A_569] : memref<823296x64xf32, #tpu.memory_space<hbm>> -> memref<128x64xf32, #tpu.memory_space<hbm>>
        %dma_wait3A_571 = arith.constant 0 : i32
        %dma_wait3A_572 = arith.constant 0 : i32
        %dma_wait3A_573 = tpu.memref_slice %arg6[%dma_wait3A_559, %dma_wait3A_571, %dma_wait3A_572] : memref<6x128x64xf32, #tpu.memory_space<vmem>> -> memref<1x128x64xf32, #tpu.memory_space<vmem>>
        %dma_wait3A_574 = tpu.memref_squeeze %dma_wait3A_573 : memref<1x128x64xf32, #tpu.memory_space<vmem>> -> memref<128x64xf32, #tpu.memory_space<vmem>>
        tpu.wait_dma2 semaphore(%dma_wait3A_568 : memref<!tpu.dma_semaphore, #tpu.memory_space<semaphore_mem>>) src(%dma_wait3A_574 : memref<128x64xf32, #tpu.memory_space<vmem>>) dst(%dma_wait3A_570 : memref<128x64xf32, #tpu.memory_space<hbm>>)
        %add3A_575 = arith.constant 6 : i32
        %add3A_576 = arith.addi %add3A_389, %add3A_575 : i32
        %dma_start3A_577 = arith.constant 2 : i32
        %dma_start3A_578 = arith.constant 2 : i32
        %dma_start3A_579 = arith.constant 0 : i32
        %dma_start3A_580 = arith.constant 0 : i32
        %dma_start3A_581 = tpu.memref_slice %arg6[%dma_start3A_577, %dma_start3A_579, %dma_start3A_580] : memref<6x128x64xf32, #tpu.memory_space<vmem>> -> memref<1x128x64xf32, #tpu.memory_space<vmem>>
        %dma_start3A_582 = tpu.memref_squeeze %dma_start3A_581 : memref<1x128x64xf32, #tpu.memory_space<vmem>> -> memref<128x64xf32, #tpu.memory_space<vmem>>
        %dma_start3A_583 = arith.constant 0 : i32
        %dma_start3A_584 = tpu.memref_slice %arg5[%add3A_576, %dma_start3A_583] : memref<201x128xi32, #tpu.memory_space<vmem>> -> memref<1x128xi32, #tpu.memory_space<vmem>>
        %dma_start3A_585 = tpu.memref_squeeze %dma_start3A_584 : memref<1x128xi32, #tpu.memory_space<vmem>> -> memref<128xi32, #tpu.memory_space<vmem>>
        %dma_start3A_586 = arith.constant 0 : i32
        %dma_start3A_587 = arith.constant 0 : i32
        %dma_start3A_588 = tpu.memref_slice %arg2[%dma_start3A_586, %dma_start3A_587] : memref<100002x64xf32, #tpu.memory_space<hbm>> -> memref<100002x64xf32, #tpu.memory_space<hbm>>
        %dma_start3A_589 = tpu.memref_slice %arg7[%dma_start3A_578] : memref<6x!tpu.dma_semaphore, #tpu.memory_space<semaphore_mem>> -> memref<1x!tpu.dma_semaphore, #tpu.memory_space<semaphore_mem>>
        %dma_start3A_590 = tpu.memref_squeeze %dma_start3A_589 : memref<1x!tpu.dma_semaphore, #tpu.memory_space<semaphore_mem>> -> memref<!tpu.dma_semaphore, #tpu.memory_space<semaphore_mem>>
        tpu.enqueue_indirect_dma source(%dma_start3A_588 : memref<100002x64xf32, #tpu.memory_space<hbm>>) target(%dma_start3A_582 : memref<128x64xf32, #tpu.memory_space<vmem>>) offsets(%dma_start3A_585 : memref<128xi32, #tpu.memory_space<vmem>>) semaphore(%dma_start3A_590 : memref<!tpu.dma_semaphore, #tpu.memory_space<semaphore_mem>>)
      } else {
      }
      %add3A_430 = arith.constant 3 : i32
      %add3A_431 = arith.addi %add3A_306, %add3A_430 : i32
      %dma_wait3A_432 = arith.constant 3 : i32
      %dma_wait3A_433 = arith.constant 3 : i32
      %dma_wait3A_434 = arith.constant 0 : i32
      %dma_wait3A_435 = arith.constant 0 : i32
      %dma_wait3A_436 = tpu.memref_slice %arg6[%dma_wait3A_432, %dma_wait3A_434, %dma_wait3A_435] : memref<6x128x64xf32, #tpu.memory_space<vmem>> -> memref<1x128x64xf32, #tpu.memory_space<vmem>>
      %dma_wait3A_437 = tpu.memref_squeeze %dma_wait3A_436 : memref<1x128x64xf32, #tpu.memory_space<vmem>> -> memref<128x64xf32, #tpu.memory_space<vmem>>
      %dma_wait3A_438 = arith.constant 0 : i32
      %dma_wait3A_439 = tpu.memref_slice %arg5[%add3A_431, %dma_wait3A_438] : memref<201x128xi32, #tpu.memory_space<vmem>> -> memref<1x128xi32, #tpu.memory_space<vmem>>
      %dma_wait3A_440 = tpu.memref_squeeze %dma_wait3A_439 : memref<1x128xi32, #tpu.memory_space<vmem>> -> memref<128xi32, #tpu.memory_space<vmem>>
      %dma_wait3A_441 = arith.constant 0 : i32
      %dma_wait3A_442 = arith.constant 0 : i32
      %dma_wait3A_443 = tpu.memref_slice %arg2[%dma_wait3A_441, %dma_wait3A_442] : memref<100002x64xf32, #tpu.memory_space<hbm>> -> memref<100002x64xf32, #tpu.memory_space<hbm>>
      %dma_wait3A_444 = tpu.memref_slice %arg7[%dma_wait3A_433] : memref<6x!tpu.dma_semaphore, #tpu.memory_space<semaphore_mem>> -> memref<1x!tpu.dma_semaphore, #tpu.memory_space<semaphore_mem>>
      %dma_wait3A_445 = tpu.memref_squeeze %dma_wait3A_444 : memref<1x!tpu.dma_semaphore, #tpu.memory_space<semaphore_mem>> -> memref<!tpu.dma_semaphore, #tpu.memory_space<semaphore_mem>>
      tpu.wait_indirect_dma semaphore(%dma_wait3A_445 : memref<!tpu.dma_semaphore, #tpu.memory_space<semaphore_mem>>) src(%dma_wait3A_443 : memref<100002x64xf32, #tpu.memory_space<hbm>>) dst(%dma_wait3A_437 : memref<128x64xf32, #tpu.memory_space<vmem>>)
      %mul3A_446 = arith.constant 128 : i32
      %mul3A_447 = arith.muli %add3A_431, %mul3A_446 : i32
      %add3A_448 = arith.addi %mul3A_2, %mul3A_447 : i32
      %dma_start3A_449 = arith.constant 3 : i32
      %dma_start3A_450 = arith.constant 3 : i32
      %dma_start3A_451 = arith.constant 0 : i32
      %dma_start3A_452 = arith.constant 0 : i32
      %dma_start3A_453 = tpu.memref_slice %arg6[%dma_start3A_449, %dma_start3A_451, %dma_start3A_452] : memref<6x128x64xf32, #tpu.memory_space<vmem>> -> memref<1x128x64xf32, #tpu.memory_space<vmem>>
      %dma_start3A_454 = tpu.memref_squeeze %dma_start3A_453 : memref<1x128x64xf32, #tpu.memory_space<vmem>> -> memref<128x64xf32, #tpu.memory_space<vmem>>
      %dma_start3A_455 = arith.constant 0 : i32
      %dma_start3A_456 = tpu.memref_slice %arg4[%add3A_448, %dma_start3A_455] : memref<823296x64xf32, #tpu.memory_space<hbm>> -> memref<128x64xf32, #tpu.memory_space<hbm>>
      %dma_start3A_457 = tpu.memref_slice %arg8[%dma_start3A_450] : memref<6x!tpu.dma_semaphore, #tpu.memory_space<semaphore_mem>> -> memref<1x!tpu.dma_semaphore, #tpu.memory_space<semaphore_mem>>
      %dma_start3A_458 = tpu.memref_squeeze %dma_start3A_457 : memref<1x!tpu.dma_semaphore, #tpu.memory_space<semaphore_mem>> -> memref<!tpu.dma_semaphore, #tpu.memory_space<semaphore_mem>>
      %dma_start3A_459 = arith.constant 0 : i32
      %dma_start3A_460 = tpu.memref_slice %arg4[%add3A_448, %dma_start3A_459] : memref<823296x64xf32, #tpu.memory_space<hbm>> -> memref<128x64xf32, #tpu.memory_space<hbm>>
      %dma_start3A_461 = arith.constant 0 : i32
      %dma_start3A_462 = arith.constant 0 : i32
      %dma_start3A_463 = tpu.memref_slice %arg6[%dma_start3A_449, %dma_start3A_461, %dma_start3A_462] : memref<6x128x64xf32, #tpu.memory_space<vmem>> -> memref<1x128x64xf32, #tpu.memory_space<vmem>>
      %dma_start3A_464 = tpu.memref_squeeze %dma_start3A_463 : memref<1x128x64xf32, #tpu.memory_space<vmem>> -> memref<128x64xf32, #tpu.memory_space<vmem>>
      tpu.enqueue_dma source(%dma_start3A_464 : memref<128x64xf32, #tpu.memory_space<vmem>>) target(%dma_start3A_460 : memref<128x64xf32, #tpu.memory_space<hbm>>) target_semaphore(%dma_start3A_458 : memref<!tpu.dma_semaphore, #tpu.memory_space<semaphore_mem>>)
      %add3A_465 = arith.constant 6 : i32
      %add3A_466 = arith.addi %add3A_431, %add3A_465 : i32
      %lt3A_467 = arith.constant 201 : i32
      %lt3A_468 = arith.cmpi slt, %add3A_466, %lt3A_467 : i32
      %convert_element_type3A_469 = arith.extui %lt3A_468 : i1 to i32
      %cond3A_470 = arith.constant 0 : i32
      %cond3A_471 = arith.cmpi ne, %convert_element_type3A_469, %cond3A_470 : i32
      scf.if %cond3A_471 {
        %mul3A_556 = arith.constant 128 : i32
        %mul3A_557 = arith.muli %add3A_431, %mul3A_556 : i32
        %add3A_558 = arith.addi %mul3A_2, %mul3A_557 : i32
        %dma_wait3A_559 = arith.constant 3 : i32
        %dma_wait3A_560 = arith.constant 3 : i32
        %dma_wait3A_561 = arith.constant 0 : i32
        %dma_wait3A_562 = arith.constant 0 : i32
        %dma_wait3A_563 = tpu.memref_slice %arg6[%dma_wait3A_559, %dma_wait3A_561, %dma_wait3A_562] : memref<6x128x64xf32, #tpu.memory_space<vmem>> -> memref<1x128x64xf32, #tpu.memory_space<vmem>>
        %dma_wait3A_564 = tpu.memref_squeeze %dma_wait3A_563 : memref<1x128x64xf32, #tpu.memory_space<vmem>> -> memref<128x64xf32, #tpu.memory_space<vmem>>
        %dma_wait3A_565 = arith.constant 0 : i32
        %dma_wait3A_566 = tpu.memref_slice %arg4[%add3A_558, %dma_wait3A_565] : memref<823296x64xf32, #tpu.memory_space<hbm>> -> memref<128x64xf32, #tpu.memory_space<hbm>>
        %dma_wait3A_567 = tpu.memref_slice %arg8[%dma_wait3A_560] : memref<6x!tpu.dma_semaphore, #tpu.memory_space<semaphore_mem>> -> memref<1x!tpu.dma_semaphore, #tpu.memory_space<semaphore_mem>>
        %dma_wait3A_568 = tpu.memref_squeeze %dma_wait3A_567 : memref<1x!tpu.dma_semaphore, #tpu.memory_space<semaphore_mem>> -> memref<!tpu.dma_semaphore, #tpu.memory_space<semaphore_mem>>
        %dma_wait3A_569 = arith.constant 0 : i32
        %dma_wait3A_570 = tpu.memref_slice %arg4[%add3A_558, %dma_wait3A_569] : memref<823296x64xf32, #tpu.memory_space<hbm>> -> memref<128x64xf32, #tpu.memory_space<hbm>>
        %dma_wait3A_571 = arith.constant 0 : i32
        %dma_wait3A_572 = arith.constant 0 : i32
        %dma_wait3A_573 = tpu.memref_slice %arg6[%dma_wait3A_559, %dma_wait3A_571, %dma_wait3A_572] : memref<6x128x64xf32, #tpu.memory_space<vmem>> -> memref<1x128x64xf32, #tpu.memory_space<vmem>>
        %dma_wait3A_574 = tpu.memref_squeeze %dma_wait3A_573 : memref<1x128x64xf32, #tpu.memory_space<vmem>> -> memref<128x64xf32, #tpu.memory_space<vmem>>
        tpu.wait_dma2 semaphore(%dma_wait3A_568 : memref<!tpu.dma_semaphore, #tpu.memory_space<semaphore_mem>>) src(%dma_wait3A_574 : memref<128x64xf32, #tpu.memory_space<vmem>>) dst(%dma_wait3A_570 : memref<128x64xf32, #tpu.memory_space<hbm>>)
        %add3A_575 = arith.constant 6 : i32
        %add3A_576 = arith.addi %add3A_431, %add3A_575 : i32
        %dma_start3A_577 = arith.constant 3 : i32
        %dma_start3A_578 = arith.constant 3 : i32
        %dma_start3A_579 = arith.constant 0 : i32
        %dma_start3A_580 = arith.constant 0 : i32
        %dma_start3A_581 = tpu.memref_slice %arg6[%dma_start3A_577, %dma_start3A_579, %dma_start3A_580] : memref<6x128x64xf32, #tpu.memory_space<vmem>> -> memref<1x128x64xf32, #tpu.memory_space<vmem>>
        %dma_start3A_582 = tpu.memref_squeeze %dma_start3A_581 : memref<1x128x64xf32, #tpu.memory_space<vmem>> -> memref<128x64xf32, #tpu.memory_space<vmem>>
        %dma_start3A_583 = arith.constant 0 : i32
        %dma_start3A_584 = tpu.memref_slice %arg5[%add3A_576, %dma_start3A_583] : memref<201x128xi32, #tpu.memory_space<vmem>> -> memref<1x128xi32, #tpu.memory_space<vmem>>
        %dma_start3A_585 = tpu.memref_squeeze %dma_start3A_584 : memref<1x128xi32, #tpu.memory_space<vmem>> -> memref<128xi32, #tpu.memory_space<vmem>>
        %dma_start3A_586 = arith.constant 0 : i32
        %dma_start3A_587 = arith.constant 0 : i32
        %dma_start3A_588 = tpu.memref_slice %arg2[%dma_start3A_586, %dma_start3A_587] : memref<100002x64xf32, #tpu.memory_space<hbm>> -> memref<100002x64xf32, #tpu.memory_space<hbm>>
        %dma_start3A_589 = tpu.memref_slice %arg7[%dma_start3A_578] : memref<6x!tpu.dma_semaphore, #tpu.memory_space<semaphore_mem>> -> memref<1x!tpu.dma_semaphore, #tpu.memory_space<semaphore_mem>>
        %dma_start3A_590 = tpu.memref_squeeze %dma_start3A_589 : memref<1x!tpu.dma_semaphore, #tpu.memory_space<semaphore_mem>> -> memref<!tpu.dma_semaphore, #tpu.memory_space<semaphore_mem>>
        tpu.enqueue_indirect_dma source(%dma_start3A_588 : memref<100002x64xf32, #tpu.memory_space<hbm>>) target(%dma_start3A_582 : memref<128x64xf32, #tpu.memory_space<vmem>>) offsets(%dma_start3A_585 : memref<128xi32, #tpu.memory_space<vmem>>) semaphore(%dma_start3A_590 : memref<!tpu.dma_semaphore, #tpu.memory_space<semaphore_mem>>)
      } else {
      }
      %add3A_472 = arith.constant 4 : i32
      %add3A_473 = arith.addi %add3A_306, %add3A_472 : i32
      %dma_wait3A_474 = arith.constant 4 : i32
      %dma_wait3A_475 = arith.constant 4 : i32
      %dma_wait3A_476 = arith.constant 0 : i32
      %dma_wait3A_477 = arith.constant 0 : i32
      %dma_wait3A_478 = tpu.memref_slice %arg6[%dma_wait3A_474, %dma_wait3A_476, %dma_wait3A_477] : memref<6x128x64xf32, #tpu.memory_space<vmem>> -> memref<1x128x64xf32, #tpu.memory_space<vmem>>
      %dma_wait3A_479 = tpu.memref_squeeze %dma_wait3A_478 : memref<1x128x64xf32, #tpu.memory_space<vmem>> -> memref<128x64xf32, #tpu.memory_space<vmem>>
      %dma_wait3A_480 = arith.constant 0 : i32
      %dma_wait3A_481 = tpu.memref_slice %arg5[%add3A_473, %dma_wait3A_480] : memref<201x128xi32, #tpu.memory_space<vmem>> -> memref<1x128xi32, #tpu.memory_space<vmem>>
      %dma_wait3A_482 = tpu.memref_squeeze %dma_wait3A_481 : memref<1x128xi32, #tpu.memory_space<vmem>> -> memref<128xi32, #tpu.memory_space<vmem>>
      %dma_wait3A_483 = arith.constant 0 : i32
      %dma_wait3A_484 = arith.constant 0 : i32
      %dma_wait3A_485 = tpu.memref_slice %arg2[%dma_wait3A_483, %dma_wait3A_484] : memref<100002x64xf32, #tpu.memory_space<hbm>> -> memref<100002x64xf32, #tpu.memory_space<hbm>>
      %dma_wait3A_486 = tpu.memref_slice %arg7[%dma_wait3A_475] : memref<6x!tpu.dma_semaphore, #tpu.memory_space<semaphore_mem>> -> memref<1x!tpu.dma_semaphore, #tpu.memory_space<semaphore_mem>>
      %dma_wait3A_487 = tpu.memref_squeeze %dma_wait3A_486 : memref<1x!tpu.dma_semaphore, #tpu.memory_space<semaphore_mem>> -> memref<!tpu.dma_semaphore, #tpu.memory_space<semaphore_mem>>
      tpu.wait_indirect_dma semaphore(%dma_wait3A_487 : memref<!tpu.dma_semaphore, #tpu.memory_space<semaphore_mem>>) src(%dma_wait3A_485 : memref<100002x64xf32, #tpu.memory_space<hbm>>) dst(%dma_wait3A_479 : memref<128x64xf32, #tpu.memory_space<vmem>>)
      %mul3A_488 = arith.constant 128 : i32
      %mul3A_489 = arith.muli %add3A_473, %mul3A_488 : i32
      %add3A_490 = arith.addi %mul3A_2, %mul3A_489 : i32
      %dma_start3A_491 = arith.constant 4 : i32
      %dma_start3A_492 = arith.constant 4 : i32
      %dma_start3A_493 = arith.constant 0 : i32
      %dma_start3A_494 = arith.constant 0 : i32
      %dma_start3A_495 = tpu.memref_slice %arg6[%dma_start3A_491, %dma_start3A_493, %dma_start3A_494] : memref<6x128x64xf32, #tpu.memory_space<vmem>> -> memref<1x128x64xf32, #tpu.memory_space<vmem>>
      %dma_start3A_496 = tpu.memref_squeeze %dma_start3A_495 : memref<1x128x64xf32, #tpu.memory_space<vmem>> -> memref<128x64xf32, #tpu.memory_space<vmem>>
      %dma_start3A_497 = arith.constant 0 : i32
      %dma_start3A_498 = tpu.memref_slice %arg4[%add3A_490, %dma_start3A_497] : memref<823296x64xf32, #tpu.memory_space<hbm>> -> memref<128x64xf32, #tpu.memory_space<hbm>>
      %dma_start3A_499 = tpu.memref_slice %arg8[%dma_start3A_492] : memref<6x!tpu.dma_semaphore, #tpu.memory_space<semaphore_mem>> -> memref<1x!tpu.dma_semaphore, #tpu.memory_space<semaphore_mem>>
      %dma_start3A_500 = tpu.memref_squeeze %dma_start3A_499 : memref<1x!tpu.dma_semaphore, #tpu.memory_space<semaphore_mem>> -> memref<!tpu.dma_semaphore, #tpu.memory_space<semaphore_mem>>
      %dma_start3A_501 = arith.constant 0 : i32
      %dma_start3A_502 = tpu.memref_slice %arg4[%add3A_490, %dma_start3A_501] : memref<823296x64xf32, #tpu.memory_space<hbm>> -> memref<128x64xf32, #tpu.memory_space<hbm>>
      %dma_start3A_503 = arith.constant 0 : i32
      %dma_start3A_504 = arith.constant 0 : i32
      %dma_start3A_505 = tpu.memref_slice %arg6[%dma_start3A_491, %dma_start3A_503, %dma_start3A_504] : memref<6x128x64xf32, #tpu.memory_space<vmem>> -> memref<1x128x64xf32, #tpu.memory_space<vmem>>
      %dma_start3A_506 = tpu.memref_squeeze %dma_start3A_505 : memref<1x128x64xf32, #tpu.memory_space<vmem>> -> memref<128x64xf32, #tpu.memory_space<vmem>>
      tpu.enqueue_dma source(%dma_start3A_506 : memref<128x64xf32, #tpu.memory_space<vmem>>) target(%dma_start3A_502 : memref<128x64xf32, #tpu.memory_space<hbm>>) target_semaphore(%dma_start3A_500 : memref<!tpu.dma_semaphore, #tpu.memory_space<semaphore_mem>>)
      %add3A_507 = arith.constant 6 : i32
      %add3A_508 = arith.addi %add3A_473, %add3A_507 : i32
      %lt3A_509 = arith.constant 201 : i32
      %lt3A_510 = arith.cmpi slt, %add3A_508, %lt3A_509 : i32
      %convert_element_type3A_511 = arith.extui %lt3A_510 : i1 to i32
      %cond3A_512 = arith.constant 0 : i32
      %cond3A_513 = arith.cmpi ne, %convert_element_type3A_511, %cond3A_512 : i32
      scf.if %cond3A_513 {
        %mul3A_556 = arith.constant 128 : i32
        %mul3A_557 = arith.muli %add3A_473, %mul3A_556 : i32
        %add3A_558 = arith.addi %mul3A_2, %mul3A_557 : i32
        %dma_wait3A_559 = arith.constant 4 : i32
        %dma_wait3A_560 = arith.constant 4 : i32
        %dma_wait3A_561 = arith.constant 0 : i32
        %dma_wait3A_562 = arith.constant 0 : i32
        %dma_wait3A_563 = tpu.memref_slice %arg6[%dma_wait3A_559, %dma_wait3A_561, %dma_wait3A_562] : memref<6x128x64xf32, #tpu.memory_space<vmem>> -> memref<1x128x64xf32, #tpu.memory_space<vmem>>
        %dma_wait3A_564 = tpu.memref_squeeze %dma_wait3A_563 : memref<1x128x64xf32, #tpu.memory_space<vmem>> -> memref<128x64xf32, #tpu.memory_space<vmem>>
        %dma_wait3A_565 = arith.constant 0 : i32
        %dma_wait3A_566 = tpu.memref_slice %arg4[%add3A_558, %dma_wait3A_565] : memref<823296x64xf32, #tpu.memory_space<hbm>> -> memref<128x64xf32, #tpu.memory_space<hbm>>
        %dma_wait3A_567 = tpu.memref_slice %arg8[%dma_wait3A_560] : memref<6x!tpu.dma_semaphore, #tpu.memory_space<semaphore_mem>> -> memref<1x!tpu.dma_semaphore, #tpu.memory_space<semaphore_mem>>
        %dma_wait3A_568 = tpu.memref_squeeze %dma_wait3A_567 : memref<1x!tpu.dma_semaphore, #tpu.memory_space<semaphore_mem>> -> memref<!tpu.dma_semaphore, #tpu.memory_space<semaphore_mem>>
        %dma_wait3A_569 = arith.constant 0 : i32
        %dma_wait3A_570 = tpu.memref_slice %arg4[%add3A_558, %dma_wait3A_569] : memref<823296x64xf32, #tpu.memory_space<hbm>> -> memref<128x64xf32, #tpu.memory_space<hbm>>
        %dma_wait3A_571 = arith.constant 0 : i32
        %dma_wait3A_572 = arith.constant 0 : i32
        %dma_wait3A_573 = tpu.memref_slice %arg6[%dma_wait3A_559, %dma_wait3A_571, %dma_wait3A_572] : memref<6x128x64xf32, #tpu.memory_space<vmem>> -> memref<1x128x64xf32, #tpu.memory_space<vmem>>
        %dma_wait3A_574 = tpu.memref_squeeze %dma_wait3A_573 : memref<1x128x64xf32, #tpu.memory_space<vmem>> -> memref<128x64xf32, #tpu.memory_space<vmem>>
        tpu.wait_dma2 semaphore(%dma_wait3A_568 : memref<!tpu.dma_semaphore, #tpu.memory_space<semaphore_mem>>) src(%dma_wait3A_574 : memref<128x64xf32, #tpu.memory_space<vmem>>) dst(%dma_wait3A_570 : memref<128x64xf32, #tpu.memory_space<hbm>>)
        %add3A_575 = arith.constant 6 : i32
        %add3A_576 = arith.addi %add3A_473, %add3A_575 : i32
        %dma_start3A_577 = arith.constant 4 : i32
        %dma_start3A_578 = arith.constant 4 : i32
        %dma_start3A_579 = arith.constant 0 : i32
        %dma_start3A_580 = arith.constant 0 : i32
        %dma_start3A_581 = tpu.memref_slice %arg6[%dma_start3A_577, %dma_start3A_579, %dma_start3A_580] : memref<6x128x64xf32, #tpu.memory_space<vmem>> -> memref<1x128x64xf32, #tpu.memory_space<vmem>>
        %dma_start3A_582 = tpu.memref_squeeze %dma_start3A_581 : memref<1x128x64xf32, #tpu.memory_space<vmem>> -> memref<128x64xf32, #tpu.memory_space<vmem>>
        %dma_start3A_583 = arith.constant 0 : i32
        %dma_start3A_584 = tpu.memref_slice %arg5[%add3A_576, %dma_start3A_583] : memref<201x128xi32, #tpu.memory_space<vmem>> -> memref<1x128xi32, #tpu.memory_space<vmem>>
        %dma_start3A_585 = tpu.memref_squeeze %dma_start3A_584 : memref<1x128xi32, #tpu.memory_space<vmem>> -> memref<128xi32, #tpu.memory_space<vmem>>
        %dma_start3A_586 = arith.constant 0 : i32
        %dma_start3A_587 = arith.constant 0 : i32
        %dma_start3A_588 = tpu.memref_slice %arg2[%dma_start3A_586, %dma_start3A_587] : memref<100002x64xf32, #tpu.memory_space<hbm>> -> memref<100002x64xf32, #tpu.memory_space<hbm>>
        %dma_start3A_589 = tpu.memref_slice %arg7[%dma_start3A_578] : memref<6x!tpu.dma_semaphore, #tpu.memory_space<semaphore_mem>> -> memref<1x!tpu.dma_semaphore, #tpu.memory_space<semaphore_mem>>
        %dma_start3A_590 = tpu.memref_squeeze %dma_start3A_589 : memref<1x!tpu.dma_semaphore, #tpu.memory_space<semaphore_mem>> -> memref<!tpu.dma_semaphore, #tpu.memory_space<semaphore_mem>>
        tpu.enqueue_indirect_dma source(%dma_start3A_588 : memref<100002x64xf32, #tpu.memory_space<hbm>>) target(%dma_start3A_582 : memref<128x64xf32, #tpu.memory_space<vmem>>) offsets(%dma_start3A_585 : memref<128xi32, #tpu.memory_space<vmem>>) semaphore(%dma_start3A_590 : memref<!tpu.dma_semaphore, #tpu.memory_space<semaphore_mem>>)
      } else {
      }
      %add3A_514 = arith.constant 5 : i32
      %add3A_515 = arith.addi %add3A_306, %add3A_514 : i32
      %dma_wait3A_516 = arith.constant 5 : i32
      %dma_wait3A_517 = arith.constant 5 : i32
      %dma_wait3A_518 = arith.constant 0 : i32
      %dma_wait3A_519 = arith.constant 0 : i32
      %dma_wait3A_520 = tpu.memref_slice %arg6[%dma_wait3A_516, %dma_wait3A_518, %dma_wait3A_519] : memref<6x128x64xf32, #tpu.memory_space<vmem>> -> memref<1x128x64xf32, #tpu.memory_space<vmem>>
      %dma_wait3A_521 = tpu.memref_squeeze %dma_wait3A_520 : memref<1x128x64xf32, #tpu.memory_space<vmem>> -> memref<128x64xf32, #tpu.memory_space<vmem>>
      %dma_wait3A_522 = arith.constant 0 : i32
      %dma_wait3A_523 = tpu.memref_slice %arg5[%add3A_515, %dma_wait3A_522] : memref<201x128xi32, #tpu.memory_space<vmem>> -> memref<1x128xi32, #tpu.memory_space<vmem>>
      %dma_wait3A_524 = tpu.memref_squeeze %dma_wait3A_523 : memref<1x128xi32, #tpu.memory_space<vmem>> -> memref<128xi32, #tpu.memory_space<vmem>>
      %dma_wait3A_525 = arith.constant 0 : i32
      %dma_wait3A_526 = arith.constant 0 : i32
      %dma_wait3A_527 = tpu.memref_slice %arg2[%dma_wait3A_525, %dma_wait3A_526] : memref<100002x64xf32, #tpu.memory_space<hbm>> -> memref<100002x64xf32, #tpu.memory_space<hbm>>
      %dma_wait3A_528 = tpu.memref_slice %arg7[%dma_wait3A_517] : memref<6x!tpu.dma_semaphore, #tpu.memory_space<semaphore_mem>> -> memref<1x!tpu.dma_semaphore, #tpu.memory_space<semaphore_mem>>
      %dma_wait3A_529 = tpu.memref_squeeze %dma_wait3A_528 : memref<1x!tpu.dma_semaphore, #tpu.memory_space<semaphore_mem>> -> memref<!tpu.dma_semaphore, #tpu.memory_space<semaphore_mem>>
      tpu.wait_indirect_dma semaphore(%dma_wait3A_529 : memref<!tpu.dma_semaphore, #tpu.memory_space<semaphore_mem>>) src(%dma_wait3A_527 : memref<100002x64xf32, #tpu.memory_space<hbm>>) dst(%dma_wait3A_521 : memref<128x64xf32, #tpu.memory_space<vmem>>)
      %mul3A_530 = arith.constant 128 : i32
      %mul3A_531 = arith.muli %add3A_515, %mul3A_530 : i32
      %add3A_532 = arith.addi %mul3A_2, %mul3A_531 : i32
      %dma_start3A_533 = arith.constant 5 : i32
      %dma_start3A_534 = arith.constant 5 : i32
      %dma_start3A_535 = arith.constant 0 : i32
      %dma_start3A_536 = arith.constant 0 : i32
      %dma_start3A_537 = tpu.memref_slice %arg6[%dma_start3A_533, %dma_start3A_535, %dma_start3A_536] : memref<6x128x64xf32, #tpu.memory_space<vmem>> -> memref<1x128x64xf32, #tpu.memory_space<vmem>>
      %dma_start3A_538 = tpu.memref_squeeze %dma_start3A_537 : memref<1x128x64xf32, #tpu.memory_space<vmem>> -> memref<128x64xf32, #tpu.memory_space<vmem>>
      %dma_start3A_539 = arith.constant 0 : i32
      %dma_start3A_540 = tpu.memref_slice %arg4[%add3A_532, %dma_start3A_539] : memref<823296x64xf32, #tpu.memory_space<hbm>> -> memref<128x64xf32, #tpu.memory_space<hbm>>
      %dma_start3A_541 = tpu.memref_slice %arg8[%dma_start3A_534] : memref<6x!tpu.dma_semaphore, #tpu.memory_space<semaphore_mem>> -> memref<1x!tpu.dma_semaphore, #tpu.memory_space<semaphore_mem>>
      %dma_start3A_542 = tpu.memref_squeeze %dma_start3A_541 : memref<1x!tpu.dma_semaphore, #tpu.memory_space<semaphore_mem>> -> memref<!tpu.dma_semaphore, #tpu.memory_space<semaphore_mem>>
      %dma_start3A_543 = arith.constant 0 : i32
      %dma_start3A_544 = tpu.memref_slice %arg4[%add3A_532, %dma_start3A_543] : memref<823296x64xf32, #tpu.memory_space<hbm>> -> memref<128x64xf32, #tpu.memory_space<hbm>>
      %dma_start3A_545 = arith.constant 0 : i32
      %dma_start3A_546 = arith.constant 0 : i32
      %dma_start3A_547 = tpu.memref_slice %arg6[%dma_start3A_533, %dma_start3A_545, %dma_start3A_546] : memref<6x128x64xf32, #tpu.memory_space<vmem>> -> memref<1x128x64xf32, #tpu.memory_space<vmem>>
      %dma_start3A_548 = tpu.memref_squeeze %dma_start3A_547 : memref<1x128x64xf32, #tpu.memory_space<vmem>> -> memref<128x64xf32, #tpu.memory_space<vmem>>
      tpu.enqueue_dma source(%dma_start3A_548 : memref<128x64xf32, #tpu.memory_space<vmem>>) target(%dma_start3A_544 : memref<128x64xf32, #tpu.memory_space<hbm>>) target_semaphore(%dma_start3A_542 : memref<!tpu.dma_semaphore, #tpu.memory_space<semaphore_mem>>)
      %add3A_549 = arith.constant 6 : i32
      %add3A_550 = arith.addi %add3A_515, %add3A_549 : i32
      %lt3A_551 = arith.constant 201 : i32
      %lt3A_552 = arith.cmpi slt, %add3A_550, %lt3A_551 : i32
      %convert_element_type3A_553 = arith.extui %lt3A_552 : i1 to i32
      %cond3A_554 = arith.constant 0 : i32
      %cond3A_555 = arith.cmpi ne, %convert_element_type3A_553, %cond3A_554 : i32
      scf.if %cond3A_555 {
        %mul3A_556 = arith.constant 128 : i32
        %mul3A_557 = arith.muli %add3A_515, %mul3A_556 : i32
        %add3A_558 = arith.addi %mul3A_2, %mul3A_557 : i32
        %dma_wait3A_559 = arith.constant 5 : i32
        %dma_wait3A_560 = arith.constant 5 : i32
        %dma_wait3A_561 = arith.constant 0 : i32
        %dma_wait3A_562 = arith.constant 0 : i32
        %dma_wait3A_563 = tpu.memref_slice %arg6[%dma_wait3A_559, %dma_wait3A_561, %dma_wait3A_562] : memref<6x128x64xf32, #tpu.memory_space<vmem>> -> memref<1x128x64xf32, #tpu.memory_space<vmem>>
        %dma_wait3A_564 = tpu.memref_squeeze %dma_wait3A_563 : memref<1x128x64xf32, #tpu.memory_space<vmem>> -> memref<128x64xf32, #tpu.memory_space<vmem>>
        %dma_wait3A_565 = arith.constant 0 : i32
        %dma_wait3A_566 = tpu.memref_slice %arg4[%add3A_558, %dma_wait3A_565] : memref<823296x64xf32, #tpu.memory_space<hbm>> -> memref<128x64xf32, #tpu.memory_space<hbm>>
        %dma_wait3A_567 = tpu.memref_slice %arg8[%dma_wait3A_560] : memref<6x!tpu.dma_semaphore, #tpu.memory_space<semaphore_mem>> -> memref<1x!tpu.dma_semaphore, #tpu.memory_space<semaphore_mem>>
        %dma_wait3A_568 = tpu.memref_squeeze %dma_wait3A_567 : memref<1x!tpu.dma_semaphore, #tpu.memory_space<semaphore_mem>> -> memref<!tpu.dma_semaphore, #tpu.memory_space<semaphore_mem>>
        %dma_wait3A_569 = arith.constant 0 : i32
        %dma_wait3A_570 = tpu.memref_slice %arg4[%add3A_558, %dma_wait3A_569] : memref<823296x64xf32, #tpu.memory_space<hbm>> -> memref<128x64xf32, #tpu.memory_space<hbm>>
        %dma_wait3A_571 = arith.constant 0 : i32
        %dma_wait3A_572 = arith.constant 0 : i32
        %dma_wait3A_573 = tpu.memref_slice %arg6[%dma_wait3A_559, %dma_wait3A_571, %dma_wait3A_572] : memref<6x128x64xf32, #tpu.memory_space<vmem>> -> memref<1x128x64xf32, #tpu.memory_space<vmem>>
        %dma_wait3A_574 = tpu.memref_squeeze %dma_wait3A_573 : memref<1x128x64xf32, #tpu.memory_space<vmem>> -> memref<128x64xf32, #tpu.memory_space<vmem>>
        tpu.wait_dma2 semaphore(%dma_wait3A_568 : memref<!tpu.dma_semaphore, #tpu.memory_space<semaphore_mem>>) src(%dma_wait3A_574 : memref<128x64xf32, #tpu.memory_space<vmem>>) dst(%dma_wait3A_570 : memref<128x64xf32, #tpu.memory_space<hbm>>)
        %add3A_575 = arith.constant 6 : i32
        %add3A_576 = arith.addi %add3A_515, %add3A_575 : i32
        %dma_start3A_577 = arith.constant 5 : i32
        %dma_start3A_578 = arith.constant 5 : i32
        %dma_start3A_579 = arith.constant 0 : i32
        %dma_start3A_580 = arith.constant 0 : i32
        %dma_start3A_581 = tpu.memref_slice %arg6[%dma_start3A_577, %dma_start3A_579, %dma_start3A_580] : memref<6x128x64xf32, #tpu.memory_space<vmem>> -> memref<1x128x64xf32, #tpu.memory_space<vmem>>
        %dma_start3A_582 = tpu.memref_squeeze %dma_start3A_581 : memref<1x128x64xf32, #tpu.memory_space<vmem>> -> memref<128x64xf32, #tpu.memory_space<vmem>>
        %dma_start3A_583 = arith.constant 0 : i32
        %dma_start3A_584 = tpu.memref_slice %arg5[%add3A_576, %dma_start3A_583] : memref<201x128xi32, #tpu.memory_space<vmem>> -> memref<1x128xi32, #tpu.memory_space<vmem>>
        %dma_start3A_585 = tpu.memref_squeeze %dma_start3A_584 : memref<1x128xi32, #tpu.memory_space<vmem>> -> memref<128xi32, #tpu.memory_space<vmem>>
        %dma_start3A_586 = arith.constant 0 : i32
        %dma_start3A_587 = arith.constant 0 : i32
        %dma_start3A_588 = tpu.memref_slice %arg2[%dma_start3A_586, %dma_start3A_587] : memref<100002x64xf32, #tpu.memory_space<hbm>> -> memref<100002x64xf32, #tpu.memory_space<hbm>>
        %dma_start3A_589 = tpu.memref_slice %arg7[%dma_start3A_578] : memref<6x!tpu.dma_semaphore, #tpu.memory_space<semaphore_mem>> -> memref<1x!tpu.dma_semaphore, #tpu.memory_space<semaphore_mem>>
        %dma_start3A_590 = tpu.memref_squeeze %dma_start3A_589 : memref<1x!tpu.dma_semaphore, #tpu.memory_space<semaphore_mem>> -> memref<!tpu.dma_semaphore, #tpu.memory_space<semaphore_mem>>
        tpu.enqueue_indirect_dma source(%dma_start3A_588 : memref<100002x64xf32, #tpu.memory_space<hbm>>) target(%dma_start3A_582 : memref<128x64xf32, #tpu.memory_space<vmem>>) offsets(%dma_start3A_585 : memref<128xi32, #tpu.memory_space<vmem>>) semaphore(%dma_start3A_590 : memref<!tpu.dma_semaphore, #tpu.memory_space<semaphore_mem>>)
      } else {
      }
    }
    %scan3A_95 = arith.constant 33 : i32
    %dma_wait3A = arith.constant 198 : i32
    %dma_wait3A_96 = arith.constant 0 : i32
    %dma_wait3A_97 = arith.constant 0 : i32
    %dma_wait3A_98 = arith.constant 0 : i32
    %dma_wait3A_99 = arith.constant 0 : i32
    %dma_wait3A_100 = tpu.memref_slice %arg6[%dma_wait3A_96, %dma_wait3A_98, %dma_wait3A_99] : memref<6x128x64xf32, #tpu.memory_space<vmem>> -> memref<1x128x64xf32, #tpu.memory_space<vmem>>
    %dma_wait3A_101 = tpu.memref_squeeze %dma_wait3A_100 : memref<1x128x64xf32, #tpu.memory_space<vmem>> -> memref<128x64xf32, #tpu.memory_space<vmem>>
    %dma_wait3A_102 = arith.constant 0 : i32
    %dma_wait3A_103 = tpu.memref_slice %arg5[%dma_wait3A, %dma_wait3A_102] : memref<201x128xi32, #tpu.memory_space<vmem>> -> memref<1x128xi32, #tpu.memory_space<vmem>>
    %dma_wait3A_104 = tpu.memref_squeeze %dma_wait3A_103 : memref<1x128xi32, #tpu.memory_space<vmem>> -> memref<128xi32, #tpu.memory_space<vmem>>
    %dma_wait3A_105 = arith.constant 0 : i32
    %dma_wait3A_106 = arith.constant 0 : i32
    %dma_wait3A_107 = tpu.memref_slice %arg2[%dma_wait3A_105, %dma_wait3A_106] : memref<100002x64xf32, #tpu.memory_space<hbm>> -> memref<100002x64xf32, #tpu.memory_space<hbm>>
    %dma_wait3A_108 = tpu.memref_slice %arg7[%dma_wait3A_97] : memref<6x!tpu.dma_semaphore, #tpu.memory_space<semaphore_mem>> -> memref<1x!tpu.dma_semaphore, #tpu.memory_space<semaphore_mem>>
    %dma_wait3A_109 = tpu.memref_squeeze %dma_wait3A_108 : memref<1x!tpu.dma_semaphore, #tpu.memory_space<semaphore_mem>> -> memref<!tpu.dma_semaphore, #tpu.memory_space<semaphore_mem>>
    tpu.wait_indirect_dma semaphore(%dma_wait3A_109 : memref<!tpu.dma_semaphore, #tpu.memory_space<semaphore_mem>>) src(%dma_wait3A_107 : memref<100002x64xf32, #tpu.memory_space<hbm>>) dst(%dma_wait3A_101 : memref<128x64xf32, #tpu.memory_space<vmem>>)
    %add3A_110 = arith.constant 25344 : i32
    %add3A_111 = arith.addi %mul3A_2, %add3A_110 : i32
    %dma_start3A_112 = arith.constant 0 : i32
    %dma_start3A_113 = arith.constant 0 : i32
    %dma_start3A_114 = arith.constant 0 : i32
    %dma_start3A_115 = arith.constant 0 : i32
    %dma_start3A_116 = tpu.memref_slice %arg6[%dma_start3A_112, %dma_start3A_114, %dma_start3A_115] : memref<6x128x64xf32, #tpu.memory_space<vmem>> -> memref<1x128x64xf32, #tpu.memory_space<vmem>>
    %dma_start3A_117 = tpu.memref_squeeze %dma_start3A_116 : memref<1x128x64xf32, #tpu.memory_space<vmem>> -> memref<128x64xf32, #tpu.memory_space<vmem>>
    %dma_start3A_118 = arith.constant 0 : i32
    %dma_start3A_119 = tpu.memref_slice %arg4[%add3A_111, %dma_start3A_118] : memref<823296x64xf32, #tpu.memory_space<hbm>> -> memref<128x64xf32, #tpu.memory_space<hbm>>
    %dma_start3A_120 = tpu.memref_slice %arg8[%dma_start3A_113] : memref<6x!tpu.dma_semaphore, #tpu.memory_space<semaphore_mem>> -> memref<1x!tpu.dma_semaphore, #tpu.memory_space<semaphore_mem>>
    %dma_start3A_121 = tpu.memref_squeeze %dma_start3A_120 : memref<1x!tpu.dma_semaphore, #tpu.memory_space<semaphore_mem>> -> memref<!tpu.dma_semaphore, #tpu.memory_space<semaphore_mem>>
    %dma_start3A_122 = arith.constant 0 : i32
    %dma_start3A_123 = tpu.memref_slice %arg4[%add3A_111, %dma_start3A_122] : memref<823296x64xf32, #tpu.memory_space<hbm>> -> memref<128x64xf32, #tpu.memory_space<hbm>>
    %dma_start3A_124 = arith.constant 0 : i32
    %dma_start3A_125 = arith.constant 0 : i32
    %dma_start3A_126 = tpu.memref_slice %arg6[%dma_start3A_112, %dma_start3A_124, %dma_start3A_125] : memref<6x128x64xf32, #tpu.memory_space<vmem>> -> memref<1x128x64xf32, #tpu.memory_space<vmem>>
    %dma_start3A_127 = tpu.memref_squeeze %dma_start3A_126 : memref<1x128x64xf32, #tpu.memory_space<vmem>> -> memref<128x64xf32, #tpu.memory_space<vmem>>
    tpu.enqueue_dma source(%dma_start3A_127 : memref<128x64xf32, #tpu.memory_space<vmem>>) target(%dma_start3A_123 : memref<128x64xf32, #tpu.memory_space<hbm>>) target_semaphore(%dma_start3A_121 : memref<!tpu.dma_semaphore, #tpu.memory_space<semaphore_mem>>)
    %dma_wait3A_128 = arith.constant 199 : i32
    %dma_wait3A_129 = arith.constant 1 : i32
    %dma_wait3A_130 = arith.constant 1 : i32
    %dma_wait3A_131 = arith.constant 0 : i32
    %dma_wait3A_132 = arith.constant 0 : i32
    %dma_wait3A_133 = tpu.memref_slice %arg6[%dma_wait3A_129, %dma_wait3A_131, %dma_wait3A_132] : memref<6x128x64xf32, #tpu.memory_space<vmem>> -> memref<1x128x64xf32, #tpu.memory_space<vmem>>
    %dma_wait3A_134 = tpu.memref_squeeze %dma_wait3A_133 : memref<1x128x64xf32, #tpu.memory_space<vmem>> -> memref<128x64xf32, #tpu.memory_space<vmem>>
    %dma_wait3A_135 = arith.constant 0 : i32
    %dma_wait3A_136 = tpu.memref_slice %arg5[%dma_wait3A_128, %dma_wait3A_135] : memref<201x128xi32, #tpu.memory_space<vmem>> -> memref<1x128xi32, #tpu.memory_space<vmem>>
    %dma_wait3A_137 = tpu.memref_squeeze %dma_wait3A_136 : memref<1x128xi32, #tpu.memory_space<vmem>> -> memref<128xi32, #tpu.memory_space<vmem>>
    %dma_wait3A_138 = arith.constant 0 : i32
    %dma_wait3A_139 = arith.constant 0 : i32
    %dma_wait3A_140 = tpu.memref_slice %arg2[%dma_wait3A_138, %dma_wait3A_139] : memref<100002x64xf32, #tpu.memory_space<hbm>> -> memref<100002x64xf32, #tpu.memory_space<hbm>>
    %dma_wait3A_141 = tpu.memref_slice %arg7[%dma_wait3A_130] : memref<6x!tpu.dma_semaphore, #tpu.memory_space<semaphore_mem>> -> memref<1x!tpu.dma_semaphore, #tpu.memory_space<semaphore_mem>>
    %dma_wait3A_142 = tpu.memref_squeeze %dma_wait3A_141 : memref<1x!tpu.dma_semaphore, #tpu.memory_space<semaphore_mem>> -> memref<!tpu.dma_semaphore, #tpu.memory_space<semaphore_mem>>
    tpu.wait_indirect_dma semaphore(%dma_wait3A_142 : memref<!tpu.dma_semaphore, #tpu.memory_space<semaphore_mem>>) src(%dma_wait3A_140 : memref<100002x64xf32, #tpu.memory_space<hbm>>) dst(%dma_wait3A_134 : memref<128x64xf32, #tpu.memory_space<vmem>>)
    %add3A_143 = arith.constant 25472 : i32
    %add3A_144 = arith.addi %mul3A_2, %add3A_143 : i32
    %dma_start3A_145 = arith.constant 1 : i32
    %dma_start3A_146 = arith.constant 1 : i32
    %dma_start3A_147 = arith.constant 0 : i32
    %dma_start3A_148 = arith.constant 0 : i32
    %dma_start3A_149 = tpu.memref_slice %arg6[%dma_start3A_145, %dma_start3A_147, %dma_start3A_148] : memref<6x128x64xf32, #tpu.memory_space<vmem>> -> memref<1x128x64xf32, #tpu.memory_space<vmem>>
    %dma_start3A_150 = tpu.memref_squeeze %dma_start3A_149 : memref<1x128x64xf32, #tpu.memory_space<vmem>> -> memref<128x64xf32, #tpu.memory_space<vmem>>
    %dma_start3A_151 = arith.constant 0 : i32
    %dma_start3A_152 = tpu.memref_slice %arg4[%add3A_144, %dma_start3A_151] : memref<823296x64xf32, #tpu.memory_space<hbm>> -> memref<128x64xf32, #tpu.memory_space<hbm>>
    %dma_start3A_153 = tpu.memref_slice %arg8[%dma_start3A_146] : memref<6x!tpu.dma_semaphore, #tpu.memory_space<semaphore_mem>> -> memref<1x!tpu.dma_semaphore, #tpu.memory_space<semaphore_mem>>
    %dma_start3A_154 = tpu.memref_squeeze %dma_start3A_153 : memref<1x!tpu.dma_semaphore, #tpu.memory_space<semaphore_mem>> -> memref<!tpu.dma_semaphore, #tpu.memory_space<semaphore_mem>>
    %dma_start3A_155 = arith.constant 0 : i32
    %dma_start3A_156 = tpu.memref_slice %arg4[%add3A_144, %dma_start3A_155] : memref<823296x64xf32, #tpu.memory_space<hbm>> -> memref<128x64xf32, #tpu.memory_space<hbm>>
    %dma_start3A_157 = arith.constant 0 : i32
    %dma_start3A_158 = arith.constant 0 : i32
    %dma_start3A_159 = tpu.memref_slice %arg6[%dma_start3A_145, %dma_start3A_157, %dma_start3A_158] : memref<6x128x64xf32, #tpu.memory_space<vmem>> -> memref<1x128x64xf32, #tpu.memory_space<vmem>>
    %dma_start3A_160 = tpu.memref_squeeze %dma_start3A_159 : memref<1x128x64xf32, #tpu.memory_space<vmem>> -> memref<128x64xf32, #tpu.memory_space<vmem>>
    tpu.enqueue_dma source(%dma_start3A_160 : memref<128x64xf32, #tpu.memory_space<vmem>>) target(%dma_start3A_156 : memref<128x64xf32, #tpu.memory_space<hbm>>) target_semaphore(%dma_start3A_154 : memref<!tpu.dma_semaphore, #tpu.memory_space<semaphore_mem>>)
    %dma_wait3A_161 = arith.constant 200 : i32
    %dma_wait3A_162 = arith.constant 2 : i32
    %dma_wait3A_163 = arith.constant 2 : i32
    %dma_wait3A_164 = arith.constant 0 : i32
    %dma_wait3A_165 = arith.constant 0 : i32
    %dma_wait3A_166 = tpu.memref_slice %arg6[%dma_wait3A_162, %dma_wait3A_164, %dma_wait3A_165] : memref<6x128x64xf32, #tpu.memory_space<vmem>> -> memref<1x128x64xf32, #tpu.memory_space<vmem>>
    %dma_wait3A_167 = tpu.memref_squeeze %dma_wait3A_166 : memref<1x128x64xf32, #tpu.memory_space<vmem>> -> memref<128x64xf32, #tpu.memory_space<vmem>>
    %dma_wait3A_168 = arith.constant 0 : i32
    %dma_wait3A_169 = tpu.memref_slice %arg5[%dma_wait3A_161, %dma_wait3A_168] : memref<201x128xi32, #tpu.memory_space<vmem>> -> memref<1x128xi32, #tpu.memory_space<vmem>>
    %dma_wait3A_170 = tpu.memref_squeeze %dma_wait3A_169 : memref<1x128xi32, #tpu.memory_space<vmem>> -> memref<128xi32, #tpu.memory_space<vmem>>
    %dma_wait3A_171 = arith.constant 0 : i32
    %dma_wait3A_172 = arith.constant 0 : i32
    %dma_wait3A_173 = tpu.memref_slice %arg2[%dma_wait3A_171, %dma_wait3A_172] : memref<100002x64xf32, #tpu.memory_space<hbm>> -> memref<100002x64xf32, #tpu.memory_space<hbm>>
    %dma_wait3A_174 = tpu.memref_slice %arg7[%dma_wait3A_163] : memref<6x!tpu.dma_semaphore, #tpu.memory_space<semaphore_mem>> -> memref<1x!tpu.dma_semaphore, #tpu.memory_space<semaphore_mem>>
    %dma_wait3A_175 = tpu.memref_squeeze %dma_wait3A_174 : memref<1x!tpu.dma_semaphore, #tpu.memory_space<semaphore_mem>> -> memref<!tpu.dma_semaphore, #tpu.memory_space<semaphore_mem>>
    tpu.wait_indirect_dma semaphore(%dma_wait3A_175 : memref<!tpu.dma_semaphore, #tpu.memory_space<semaphore_mem>>) src(%dma_wait3A_173 : memref<100002x64xf32, #tpu.memory_space<hbm>>) dst(%dma_wait3A_167 : memref<128x64xf32, #tpu.memory_space<vmem>>)
    %add3A_176 = arith.constant 25600 : i32
    %add3A_177 = arith.addi %mul3A_2, %add3A_176 : i32
    %dma_start3A_178 = arith.constant 2 : i32
    %dma_start3A_179 = arith.constant 2 : i32
    %dma_start3A_180 = arith.constant 0 : i32
    %dma_start3A_181 = arith.constant 0 : i32
    %dma_start3A_182 = tpu.memref_slice %arg6[%dma_start3A_178, %dma_start3A_180, %dma_start3A_181] : memref<6x128x64xf32, #tpu.memory_space<vmem>> -> memref<1x128x64xf32, #tpu.memory_space<vmem>>
    %dma_start3A_183 = tpu.memref_squeeze %dma_start3A_182 : memref<1x128x64xf32, #tpu.memory_space<vmem>> -> memref<128x64xf32, #tpu.memory_space<vmem>>
    %dma_start3A_184 = arith.constant 0 : i32
    %dma_start3A_185 = tpu.memref_slice %arg4[%add3A_177, %dma_start3A_184] : memref<823296x64xf32, #tpu.memory_space<hbm>> -> memref<128x64xf32, #tpu.memory_space<hbm>>
    %dma_start3A_186 = tpu.memref_slice %arg8[%dma_start3A_179] : memref<6x!tpu.dma_semaphore, #tpu.memory_space<semaphore_mem>> -> memref<1x!tpu.dma_semaphore, #tpu.memory_space<semaphore_mem>>
    %dma_start3A_187 = tpu.memref_squeeze %dma_start3A_186 : memref<1x!tpu.dma_semaphore, #tpu.memory_space<semaphore_mem>> -> memref<!tpu.dma_semaphore, #tpu.memory_space<semaphore_mem>>
    %dma_start3A_188 = arith.constant 0 : i32
    %dma_start3A_189 = tpu.memref_slice %arg4[%add3A_177, %dma_start3A_188] : memref<823296x64xf32, #tpu.memory_space<hbm>> -> memref<128x64xf32, #tpu.memory_space<hbm>>
    %dma_start3A_190 = arith.constant 0 : i32
    %dma_start3A_191 = arith.constant 0 : i32
    %dma_start3A_192 = tpu.memref_slice %arg6[%dma_start3A_178, %dma_start3A_190, %dma_start3A_191] : memref<6x128x64xf32, #tpu.memory_space<vmem>> -> memref<1x128x64xf32, #tpu.memory_space<vmem>>
    %dma_start3A_193 = tpu.memref_squeeze %dma_start3A_192 : memref<1x128x64xf32, #tpu.memory_space<vmem>> -> memref<128x64xf32, #tpu.memory_space<vmem>>
    tpu.enqueue_dma source(%dma_start3A_193 : memref<128x64xf32, #tpu.memory_space<vmem>>) target(%dma_start3A_189 : memref<128x64xf32, #tpu.memory_space<hbm>>) target_semaphore(%dma_start3A_187 : memref<!tpu.dma_semaphore, #tpu.memory_space<semaphore_mem>>)
    %add3A_194 = arith.constant 24960 : i32
    %add3A_195 = arith.addi %mul3A_2, %add3A_194 : i32
    %dma_wait3A_196 = arith.constant 3 : i32
    %dma_wait3A_197 = arith.constant 3 : i32
    %dma_wait3A_198 = arith.constant 0 : i32
    %dma_wait3A_199 = arith.constant 0 : i32
    %dma_wait3A_200 = tpu.memref_slice %arg6[%dma_wait3A_196, %dma_wait3A_198, %dma_wait3A_199] : memref<6x128x64xf32, #tpu.memory_space<vmem>> -> memref<1x128x64xf32, #tpu.memory_space<vmem>>
    %dma_wait3A_201 = tpu.memref_squeeze %dma_wait3A_200 : memref<1x128x64xf32, #tpu.memory_space<vmem>> -> memref<128x64xf32, #tpu.memory_space<vmem>>
    %dma_wait3A_202 = arith.constant 0 : i32
    %dma_wait3A_203 = tpu.memref_slice %arg4[%add3A_195, %dma_wait3A_202] : memref<823296x64xf32, #tpu.memory_space<hbm>> -> memref<128x64xf32, #tpu.memory_space<hbm>>
    %dma_wait3A_204 = tpu.memref_slice %arg8[%dma_wait3A_197] : memref<6x!tpu.dma_semaphore, #tpu.memory_space<semaphore_mem>> -> memref<1x!tpu.dma_semaphore, #tpu.memory_space<semaphore_mem>>
    %dma_wait3A_205 = tpu.memref_squeeze %dma_wait3A_204 : memref<1x!tpu.dma_semaphore, #tpu.memory_space<semaphore_mem>> -> memref<!tpu.dma_semaphore, #tpu.memory_space<semaphore_mem>>
    %dma_wait3A_206 = arith.constant 0 : i32
    %dma_wait3A_207 = tpu.memref_slice %arg4[%add3A_195, %dma_wait3A_206] : memref<823296x64xf32, #tpu.memory_space<hbm>> -> memref<128x64xf32, #tpu.memory_space<hbm>>
    %dma_wait3A_208 = arith.constant 0 : i32
    %dma_wait3A_209 = arith.constant 0 : i32
    %dma_wait3A_210 = tpu.memref_slice %arg6[%dma_wait3A_196, %dma_wait3A_208, %dma_wait3A_209] : memref<6x128x64xf32, #tpu.memory_space<vmem>> -> memref<1x128x64xf32, #tpu.memory_space<vmem>>
    %dma_wait3A_211 = tpu.memref_squeeze %dma_wait3A_210 : memref<1x128x64xf32, #tpu.memory_space<vmem>> -> memref<128x64xf32, #tpu.memory_space<vmem>>
    tpu.wait_dma2 semaphore(%dma_wait3A_205 : memref<!tpu.dma_semaphore, #tpu.memory_space<semaphore_mem>>) src(%dma_wait3A_211 : memref<128x64xf32, #tpu.memory_space<vmem>>) dst(%dma_wait3A_207 : memref<128x64xf32, #tpu.memory_space<hbm>>)
    %add3A_212 = arith.constant 25088 : i32
    %add3A_213 = arith.addi %mul3A_2, %add3A_212 : i32
    %dma_wait3A_214 = arith.constant 4 : i32
    %dma_wait3A_215 = arith.constant 4 : i32
    %dma_wait3A_216 = arith.constant 0 : i32
    %dma_wait3A_217 = arith.constant 0 : i32
    %dma_wait3A_218 = tpu.memref_slice %arg6[%dma_wait3A_214, %dma_wait3A_216, %dma_wait3A_217] : memref<6x128x64xf32, #tpu.memory_space<vmem>> -> memref<1x128x64xf32, #tpu.memory_space<vmem>>
    %dma_wait3A_219 = tpu.memref_squeeze %dma_wait3A_218 : memref<1x128x64xf32, #tpu.memory_space<vmem>> -> memref<128x64xf32, #tpu.memory_space<vmem>>
    %dma_wait3A_220 = arith.constant 0 : i32
    %dma_wait3A_221 = tpu.memref_slice %arg4[%add3A_213, %dma_wait3A_220] : memref<823296x64xf32, #tpu.memory_space<hbm>> -> memref<128x64xf32, #tpu.memory_space<hbm>>
    %dma_wait3A_222 = tpu.memref_slice %arg8[%dma_wait3A_215] : memref<6x!tpu.dma_semaphore, #tpu.memory_space<semaphore_mem>> -> memref<1x!tpu.dma_semaphore, #tpu.memory_space<semaphore_mem>>
    %dma_wait3A_223 = tpu.memref_squeeze %dma_wait3A_222 : memref<1x!tpu.dma_semaphore, #tpu.memory_space<semaphore_mem>> -> memref<!tpu.dma_semaphore, #tpu.memory_space<semaphore_mem>>
    %dma_wait3A_224 = arith.constant 0 : i32
    %dma_wait3A_225 = tpu.memref_slice %arg4[%add3A_213, %dma_wait3A_224] : memref<823296x64xf32, #tpu.memory_space<hbm>> -> memref<128x64xf32, #tpu.memory_space<hbm>>
    %dma_wait3A_226 = arith.constant 0 : i32
    %dma_wait3A_227 = arith.constant 0 : i32
    %dma_wait3A_228 = tpu.memref_slice %arg6[%dma_wait3A_214, %dma_wait3A_226, %dma_wait3A_227] : memref<6x128x64xf32, #tpu.memory_space<vmem>> -> memref<1x128x64xf32, #tpu.memory_space<vmem>>
    %dma_wait3A_229 = tpu.memref_squeeze %dma_wait3A_228 : memref<1x128x64xf32, #tpu.memory_space<vmem>> -> memref<128x64xf32, #tpu.memory_space<vmem>>
    tpu.wait_dma2 semaphore(%dma_wait3A_223 : memref<!tpu.dma_semaphore, #tpu.memory_space<semaphore_mem>>) src(%dma_wait3A_229 : memref<128x64xf32, #tpu.memory_space<vmem>>) dst(%dma_wait3A_225 : memref<128x64xf32, #tpu.memory_space<hbm>>)
    %add3A_230 = arith.constant 25216 : i32
    %add3A_231 = arith.addi %mul3A_2, %add3A_230 : i32
    %dma_wait3A_232 = arith.constant 5 : i32
    %dma_wait3A_233 = arith.constant 5 : i32
    %dma_wait3A_234 = arith.constant 0 : i32
    %dma_wait3A_235 = arith.constant 0 : i32
    %dma_wait3A_236 = tpu.memref_slice %arg6[%dma_wait3A_232, %dma_wait3A_234, %dma_wait3A_235] : memref<6x128x64xf32, #tpu.memory_space<vmem>> -> memref<1x128x64xf32, #tpu.memory_space<vmem>>
    %dma_wait3A_237 = tpu.memref_squeeze %dma_wait3A_236 : memref<1x128x64xf32, #tpu.memory_space<vmem>> -> memref<128x64xf32, #tpu.memory_space<vmem>>
    %dma_wait3A_238 = arith.constant 0 : i32
    %dma_wait3A_239 = tpu.memref_slice %arg4[%add3A_231, %dma_wait3A_238] : memref<823296x64xf32, #tpu.memory_space<hbm>> -> memref<128x64xf32, #tpu.memory_space<hbm>>
    %dma_wait3A_240 = tpu.memref_slice %arg8[%dma_wait3A_233] : memref<6x!tpu.dma_semaphore, #tpu.memory_space<semaphore_mem>> -> memref<1x!tpu.dma_semaphore, #tpu.memory_space<semaphore_mem>>
    %dma_wait3A_241 = tpu.memref_squeeze %dma_wait3A_240 : memref<1x!tpu.dma_semaphore, #tpu.memory_space<semaphore_mem>> -> memref<!tpu.dma_semaphore, #tpu.memory_space<semaphore_mem>>
    %dma_wait3A_242 = arith.constant 0 : i32
    %dma_wait3A_243 = tpu.memref_slice %arg4[%add3A_231, %dma_wait3A_242] : memref<823296x64xf32, #tpu.memory_space<hbm>> -> memref<128x64xf32, #tpu.memory_space<hbm>>
    %dma_wait3A_244 = arith.constant 0 : i32
    %dma_wait3A_245 = arith.constant 0 : i32
    %dma_wait3A_246 = tpu.memref_slice %arg6[%dma_wait3A_232, %dma_wait3A_244, %dma_wait3A_245] : memref<6x128x64xf32, #tpu.memory_space<vmem>> -> memref<1x128x64xf32, #tpu.memory_space<vmem>>
    %dma_wait3A_247 = tpu.memref_squeeze %dma_wait3A_246 : memref<1x128x64xf32, #tpu.memory_space<vmem>> -> memref<128x64xf32, #tpu.memory_space<vmem>>
    tpu.wait_dma2 semaphore(%dma_wait3A_241 : memref<!tpu.dma_semaphore, #tpu.memory_space<semaphore_mem>>) src(%dma_wait3A_247 : memref<128x64xf32, #tpu.memory_space<vmem>>) dst(%dma_wait3A_243 : memref<128x64xf32, #tpu.memory_space<hbm>>)
    %add3A_248 = arith.constant 25344 : i32
    %add3A_249 = arith.addi %mul3A_2, %add3A_248 : i32
    %dma_wait3A_250 = arith.constant 0 : i32
    %dma_wait3A_251 = arith.constant 0 : i32
    %dma_wait3A_252 = arith.constant 0 : i32
    %dma_wait3A_253 = arith.constant 0 : i32
    %dma_wait3A_254 = tpu.memref_slice %arg6[%dma_wait3A_250, %dma_wait3A_252, %dma_wait3A_253] : memref<6x128x64xf32, #tpu.memory_space<vmem>> -> memref<1x128x64xf32, #tpu.memory_space<vmem>>
    %dma_wait3A_255 = tpu.memref_squeeze %dma_wait3A_254 : memref<1x128x64xf32, #tpu.memory_space<vmem>> -> memref<128x64xf32, #tpu.memory_space<vmem>>
    %dma_wait3A_256 = arith.constant 0 : i32
    %dma_wait3A_257 = tpu.memref_slice %arg4[%add3A_249, %dma_wait3A_256] : memref<823296x64xf32, #tpu.memory_space<hbm>> -> memref<128x64xf32, #tpu.memory_space<hbm>>
    %dma_wait3A_258 = tpu.memref_slice %arg8[%dma_wait3A_251] : memref<6x!tpu.dma_semaphore, #tpu.memory_space<semaphore_mem>> -> memref<1x!tpu.dma_semaphore, #tpu.memory_space<semaphore_mem>>
    %dma_wait3A_259 = tpu.memref_squeeze %dma_wait3A_258 : memref<1x!tpu.dma_semaphore, #tpu.memory_space<semaphore_mem>> -> memref<!tpu.dma_semaphore, #tpu.memory_space<semaphore_mem>>
    %dma_wait3A_260 = arith.constant 0 : i32
    %dma_wait3A_261 = tpu.memref_slice %arg4[%add3A_249, %dma_wait3A_260] : memref<823296x64xf32, #tpu.memory_space<hbm>> -> memref<128x64xf32, #tpu.memory_space<hbm>>
    %dma_wait3A_262 = arith.constant 0 : i32
    %dma_wait3A_263 = arith.constant 0 : i32
    %dma_wait3A_264 = tpu.memref_slice %arg6[%dma_wait3A_250, %dma_wait3A_262, %dma_wait3A_263] : memref<6x128x64xf32, #tpu.memory_space<vmem>> -> memref<1x128x64xf32, #tpu.memory_space<vmem>>
    %dma_wait3A_265 = tpu.memref_squeeze %dma_wait3A_264 : memref<1x128x64xf32, #tpu.memory_space<vmem>> -> memref<128x64xf32, #tpu.memory_space<vmem>>
    tpu.wait_dma2 semaphore(%dma_wait3A_259 : memref<!tpu.dma_semaphore, #tpu.memory_space<semaphore_mem>>) src(%dma_wait3A_265 : memref<128x64xf32, #tpu.memory_space<vmem>>) dst(%dma_wait3A_261 : memref<128x64xf32, #tpu.memory_space<hbm>>)
    %add3A_266 = arith.constant 25472 : i32
    %add3A_267 = arith.addi %mul3A_2, %add3A_266 : i32
    %dma_wait3A_268 = arith.constant 1 : i32
    %dma_wait3A_269 = arith.constant 1 : i32
    %dma_wait3A_270 = arith.constant 0 : i32
    %dma_wait3A_271 = arith.constant 0 : i32
    %dma_wait3A_272 = tpu.memref_slice %arg6[%dma_wait3A_268, %dma_wait3A_270, %dma_wait3A_271] : memref<6x128x64xf32, #tpu.memory_space<vmem>> -> memref<1x128x64xf32, #tpu.memory_space<vmem>>
    %dma_wait3A_273 = tpu.memref_squeeze %dma_wait3A_272 : memref<1x128x64xf32, #tpu.memory_space<vmem>> -> memref<128x64xf32, #tpu.memory_space<vmem>>
    %dma_wait3A_274 = arith.constant 0 : i32
    %dma_wait3A_275 = tpu.memref_slice %arg4[%add3A_267, %dma_wait3A_274] : memref<823296x64xf32, #tpu.memory_space<hbm>> -> memref<128x64xf32, #tpu.memory_space<hbm>>
    %dma_wait3A_276 = tpu.memref_slice %arg8[%dma_wait3A_269] : memref<6x!tpu.dma_semaphore, #tpu.memory_space<semaphore_mem>> -> memref<1x!tpu.dma_semaphore, #tpu.memory_space<semaphore_mem>>
    %dma_wait3A_277 = tpu.memref_squeeze %dma_wait3A_276 : memref<1x!tpu.dma_semaphore, #tpu.memory_space<semaphore_mem>> -> memref<!tpu.dma_semaphore, #tpu.memory_space<semaphore_mem>>
    %dma_wait3A_278 = arith.constant 0 : i32
    %dma_wait3A_279 = tpu.memref_slice %arg4[%add3A_267, %dma_wait3A_278] : memref<823296x64xf32, #tpu.memory_space<hbm>> -> memref<128x64xf32, #tpu.memory_space<hbm>>
    %dma_wait3A_280 = arith.constant 0 : i32
    %dma_wait3A_281 = arith.constant 0 : i32
    %dma_wait3A_282 = tpu.memref_slice %arg6[%dma_wait3A_268, %dma_wait3A_280, %dma_wait3A_281] : memref<6x128x64xf32, #tpu.memory_space<vmem>> -> memref<1x128x64xf32, #tpu.memory_space<vmem>>
    %dma_wait3A_283 = tpu.memref_squeeze %dma_wait3A_282 : memref<1x128x64xf32, #tpu.memory_space<vmem>> -> memref<128x64xf32, #tpu.memory_space<vmem>>
    tpu.wait_dma2 semaphore(%dma_wait3A_277 : memref<!tpu.dma_semaphore, #tpu.memory_space<semaphore_mem>>) src(%dma_wait3A_283 : memref<128x64xf32, #tpu.memory_space<vmem>>) dst(%dma_wait3A_279 : memref<128x64xf32, #tpu.memory_space<hbm>>)
    %add3A_284 = arith.constant 25600 : i32
    %add3A_285 = arith.addi %mul3A_2, %add3A_284 : i32
    %dma_wait3A_286 = arith.constant 2 : i32
    %dma_wait3A_287 = arith.constant 2 : i32
    %dma_wait3A_288 = arith.constant 0 : i32
    %dma_wait3A_289 = arith.constant 0 : i32
    %dma_wait3A_290 = tpu.memref_slice %arg6[%dma_wait3A_286, %dma_wait3A_288, %dma_wait3A_289] : memref<6x128x64xf32, #tpu.memory_space<vmem>> -> memref<1x128x64xf32, #tpu.memory_space<vmem>>
    %dma_wait3A_291 = tpu.memref_squeeze %dma_wait3A_290 : memref<1x128x64xf32, #tpu.memory_space<vmem>> -> memref<128x64xf32, #tpu.memory_space<vmem>>
    %dma_wait3A_292 = arith.constant 0 : i32
    %dma_wait3A_293 = tpu.memref_slice %arg4[%add3A_285, %dma_wait3A_292] : memref<823296x64xf32, #tpu.memory_space<hbm>> -> memref<128x64xf32, #tpu.memory_space<hbm>>
    %dma_wait3A_294 = tpu.memref_slice %arg8[%dma_wait3A_287] : memref<6x!tpu.dma_semaphore, #tpu.memory_space<semaphore_mem>> -> memref<1x!tpu.dma_semaphore, #tpu.memory_space<semaphore_mem>>
    %dma_wait3A_295 = tpu.memref_squeeze %dma_wait3A_294 : memref<1x!tpu.dma_semaphore, #tpu.memory_space<semaphore_mem>> -> memref<!tpu.dma_semaphore, #tpu.memory_space<semaphore_mem>>
    %dma_wait3A_296 = arith.constant 0 : i32
    %dma_wait3A_297 = tpu.memref_slice %arg4[%add3A_285, %dma_wait3A_296] : memref<823296x64xf32, #tpu.memory_space<hbm>> -> memref<128x64xf32, #tpu.memory_space<hbm>>
    %dma_wait3A_298 = arith.constant 0 : i32
    %dma_wait3A_299 = arith.constant 0 : i32
    %dma_wait3A_300 = tpu.memref_slice %arg6[%dma_wait3A_286, %dma_wait3A_298, %dma_wait3A_299] : memref<6x128x64xf32, #tpu.memory_space<vmem>> -> memref<1x128x64xf32, #tpu.memory_space<vmem>>
    %dma_wait3A_301 = tpu.memref_squeeze %dma_wait3A_300 : memref<1x128x64xf32, #tpu.memory_space<vmem>> -> memref<128x64xf32, #tpu.memory_space<vmem>>
    tpu.wait_dma2 semaphore(%dma_wait3A_295 : memref<!tpu.dma_semaphore, #tpu.memory_space<semaphore_mem>>) src(%dma_wait3A_301 : memref<128x64xf32, #tpu.memory_space<vmem>>) dst(%dma_wait3A_297 : memref<128x64xf32, #tpu.memory_space<hbm>>)
    return
  }
}

</mosaic_0001>

<sc_bundles>
// kernel: kernel.3.cloned.1.call-start
scs
__scs_entry_jumppad:
0x0: {  	(pc) =	sbr.rel $0x88, $3  }
0x1: {  	(tag) =	ssettag $0x0;
	lr =	simm.s32 $0x1  }
0x2: {  	[smem:$0x3F9F] =	sst lr;
	_ =	strace $0xD0000000  }
0x3: {  	_ = 	snop  }
0x4: {  	_ = 	snop  }
0x5: {  	_ = 	snop  }
0x6: {  	_ = 	snop  }
0x7: {  	_ = 	snop  }
__scs_overlays_trampoline_lowered:
0x8: {  	[smem:$0x3FAE] =	sst s0  }
0x9: {  	[smem:$0x3FAF] =	sst s1  }
0xa: {  	[smem:$0x3FB0] =	sst s2  }
0xb: {  	[smem:$0x3FB1] =	sst s3  }
0xc: {  	[smem:$0x3FB2] =	sst s4  }
0xd: {  	[smem:$0x3FB3] =	sst s5  }
0xe: {  	[smem:$0x3FB4] =	sst s6  }
0xf: {  	[smem:$0x3FB5] =	sst s7  }
0x10: {  	[smem:$0x3FB6] =	sst s8  }
0x11: {  	[smem:$0x3FB7] =	sst s9;
	s0 =	simm.s32 @!p0 $0x0  }
0x12: {  	s1 =	sld [smem:$0x3F9D];
	s0 =	simm.s32 @p0 $0x1  }
0x13: {  	[smem:$0x3FB8] =	sst s0;
	s0 =	simm.s32 @!p1 $0x0  }
0x14: {  	s2 =	sld [smem:$0x3F9C];
	s0 =	simm.s32 @p1 $0x1  }
0x15: {  	[smem:$0x3FB9] =	sst s0;
	s0 =	simm.s32 @!p2 $0x0  }
0x16: {  	s3 =	sld [smem:$0x3FDB];
	s0 =	simm.s32 @p2 $0x1  }
0x17: {  	s4 =	simm.s32 $0x1BF5;
	[smem:$0x3FBB] =	sst s0  }
0x18: {  	s0 =	sld [smem:$0x3F9E];
	_ =	swait.ge [sflag:s4], $0x0  }
0x19: {  	s7 =	sld [smem:$0x3F9F]  }
0x1a: {  	s8 =	sadd.s32 $0xFFFFE003, lr  }
0x1b: {  	s9 =	sadd.s32 $0xFFFFFEF7, lr;
	s5 =	simm.s32 $0xFFFFFFFF;
	p2 =	slt.u32 s8, $0xFFFFF086  }
0x1c: {  	p1 =	slt.u32 s9, $0xF7A;
	s5 =	simm.s32 @!p2 $0x0  }
0x1d: {  	s5 =	simm.s32 @p1 $0x1;
	p0 =	seq.s32 s7, s2  }
0x1e: {  	s7 =	smul.u32 @!p0 $0xF7A, s2;
	p2 =	seq.s32 @!p0 s5, $0x0  }
0x1f: {  	s9 =	smul.u32 $0xF7A, s1;
	s8 =	simm.s32 @!p0 $0x1BF5;
	p2 =	por !p2, p0  }
0x20: {  	[sflag:s8] =	ssyncset.s32 @!p0 $0xFFFFF086;
	s6 =	sadd.s32 @!p0 s3, s7;
	s7 =	simm.s32 @!p0 $0x108  }
0x21: {  	s3 =	sadd.s32 s3, s9;
	s6 =	sadd.s32 @!p0 $0x88, s6;
	s7 =	simm.s32 @p2 $0x1082  }
0x22: {  	[simem:s7], [sflag:s8] =	dma.local @!p0 [hbm:s6], $0xF7A  }
0x23: {  	s9 =	sor.u32 $0xD0000000, s2;
	s6 =	simm.s32 $0x108;
	_ =	swait.ge @!p0 [sflag:s8], $0x0  }
0x24: {  	s3 =	sadd.s32 $0x88, s3;
	s6 =	simm.s32 @!p1 $0x1082;
	[sflag:s4] =	ssyncset.s32 $0xFFFFF086  }
0x25: {  	[simem:s6], [sflag:s4] =	dma.local [hbm:s3], $0xF7A  }
0x26: {  	[smem:$0x3F9F] =	sst s1;
	(tag) =	ssettag s2;
	_ =	strace s9  }
0x27: {  	s1 =	sld [smem:$0x3FAF]  }
0x28: {  	s2 =	sld [smem:$0x3FB0]  }
0x29: {  	s4 =	sld [smem:$0x3FB2]  }
0x2a: {  	p0 =	seq.s32 s5, $0x0;
	s5 =	sld [smem:$0x3FB3]  }
0x2b: {  	s6 =	sld [smem:$0x3FB4]  }
0x2c: {  	s7 =	sld [smem:$0x3FB5]  }
0x2d: {  	s3 =	simm.s32 $0x108;
	s8 =	sld [smem:$0x3FB6]  }
0x2e: {  	s3 =	simm.s32 @!p0 $0x1082;
	s9 =	sld [smem:$0x3FB7]  }
0x2f: {  	lr =	sadd.s32 s0, s3;
	s0 =	sld [smem:$0x3FAE]  }
0x30: {  	s3 =	sld [smem:$0x3FB1]  }
0x31: {  	[smem:$0x3FBA] =	sst s10  }
0x32: {  	s10 =	sld [smem:$0x3FB8];
	_ =	sdelay $0x3  }
0x33: {  	p0 =	seq.s32 s10, $0x1;
	s10 =	sld [smem:$0x3FBA];
	_ =	sdelay $0x3  }
0x34: {  	[smem:$0x3FBA] =	sst s10  }
0x35: {  	s10 =	sld [smem:$0x3FB9];
	_ =	sdelay $0x3  }
0x36: {  	p1 =	seq.s32 s10, $0x1;
	s10 =	sld [smem:$0x3FBA];
	_ =	sdelay $0x3  }
0x37: {  	[smem:$0x3FBA] =	sst s10  }
0x38: {  	s10 =	sld [smem:$0x3FBB]  }
0x39: {  	_ = 	snop;
	(pc) =	sbr.ind lr, $3  }
0x3a: {  	_ = 	snop  }
0x3b: {  	_ = 	snop  }
0x3c: {  	p2 =	seq.s32 s10, $0x1;
	s10 =	sld [smem:$0x3FBA]  }
0x3d: {  	_ =	shalt  }
0x3e: {  	_ =	shalt  }
0x3f: {  	_ =	shalt  }
0x40: {  	_ =	shalt  }
0x41: {  	_ =	shalt  }
0x42: {  	_ =	shalt  }
0x43: {  	_ =	shalt  }
0x44: {  	_ =	shalt  }
0x45: {  	_ =	shalt  }
0x46: {  	_ =	shalt  }
0x47: {  	_ =	shalt  }
0x48: {  	_ =	shalt  }
0x49: {  	_ =	shalt  }
0x4a: {  	_ =	shalt  }
0x4b: {  	_ =	shalt  }
0x4c: {  	_ =	shalt  }
0x4d: {  	_ =	shalt  }
0x4e: {  	_ =	shalt  }
0x4f: {  	_ =	shalt  }
0x50: {  	_ =	shalt  }
0x51: {  	_ =	shalt  }
0x52: {  	_ =	shalt  }
0x53: {  	_ =	shalt  }
0x54: {  	_ =	shalt  }
0x55: {  	_ =	shalt  }
0x56: {  	_ =	shalt  }
0x57: {  	_ =	shalt  }
0x58: {  	_ =	shalt  }
0x59: {  	_ =	shalt  }
0x5a: {  	_ =	shalt  }
0x5b: {  	_ =	shalt  }
0x5c: {  	_ =	shalt  }
0x5d: {  	_ =	shalt  }
0x5e: {  	_ =	shalt  }
0x5f: {  	_ =	shalt  }
0x60: {  	_ =	shalt  }
0x61: {  	_ =	shalt  }
0x62: {  	_ =	shalt  }
0x63: {  	_ =	shalt  }
0x64: {  	_ =	shalt  }
0x65: {  	_ =	shalt  }
0x66: {  	_ =	shalt  }
0x67: {  	_ =	shalt  }
0x68: {  	_ =	shalt  }
0x69: {  	_ =	shalt  }
0x6a: {  	_ =	shalt  }
0x6b: {  	_ =	shalt  }
0x6c: {  	_ =	shalt  }
0x6d: {  	_ =	shalt  }
0x6e: {  	_ =	shalt  }
0x6f: {  	_ =	shalt  }
0x70: {  	_ =	shalt  }
0x71: {  	_ =	shalt  }
0x72: {  	_ =	shalt  }
0x73: {  	_ =	shalt  }
0x74: {  	_ =	shalt  }
0x75: {  	_ =	shalt  }
0x76: {  	_ =	shalt  }
0x77: {  	_ =	shalt  }
0x78: {  	_ =	shalt  }
0x79: {  	_ =	shalt  }
0x7a: {  	_ =	shalt  }
0x7b: {  	_ =	shalt  }
0x7c: {  	_ =	shalt  }
0x7d: {  	_ =	shalt  }
0x7e: {  	_ =	shalt  }
0x7f: {  	_ =	shalt  }
0x80: {  	_ =	shalt  }
0x81: {  	_ =	shalt  }
0x82: {  	_ =	shalt  }
0x83: {  	_ =	shalt  }
0x84: {  	_ =	shalt  }
0x85: {  	_ =	shalt  }
0x86: {  	_ =	shalt  }
0x87: {  	_ =	shalt  }
.Lfunc_end0:
.L_simem_size_0:
called_computation.1_lowered:
.L_overlay_start_0:
0x88: {  	s2 =	sld [smem:$0x3FD9]  }
0x89: {  	s3 =	sld [smem:$0x3FFE];
	_ =	sdelay $0x1  }
0x8a: {  	s1 =	srdreg.scid  }
0x8b: {  	s0 =	sand.u32 $0x1, s1  }
0x8c: {  	s17 =	sshll.u32 s0, $0xA;
	s2 =	sadd.s32 s3, s2  }
0x8d: {  	s2 =	sadd.s32 s2, s17  }
0x8e: {  	[smem:$0x3FC6] =	sst s2  }
0x8f: {  	_ = 	snop  }
0x90: {  	s2 =	sld [smem:$0x3FD0];
	(tm) =	ssettm $0x1  }
0x91: {  	s18 =	sld [smem:$0x3FFB];
	_ =	sdelay $0x3  }
0x92: {  	_ =	strace s18  }
0x93: {  	s3 =	sld [smem:$0x3FFC];
	_ =	sdelay $0x3  }
0x94: {  	_ =	strace s3  }
0x95: {  	s3 =	sld [smem:$0x3FFD];
	_ =	sdelay $0x3  }
0x96: {  	_ =	strace s3  }
0x97: {  	_ =	strace $0x8FFFFFFF  }
0x98: {  	s19 =	sld [smem:$0x3FDB];
	_ =	sdelay $0x1  }
0x99: {  	s4 =	simm.s32 $_scs_section_size  }
0x9a: {  	s5 =	simm.s32 $_size__tile_overlayer_lowered;
	s6 =	simm.s32 $_tile_overlayer_lowered  }
0x9b: {  	s22 =	simm.s32 $0x1BFF;
	s21 =	sshll.u32 s6, $0x1;
	s3 =	sadd.s32 s4, s19  }
0x9c: {  	s7 =	simm.s32 $0x0;
	s20 =	sshll.u32 s5, $0x1;
	s5 =	sadd.s32 s21, s3  }
0x9d: {  	[timem:s7], [sflag:s22] =	dma.local [hbm:s5], s20  }
0x9e: {  	_ =	swait.ge [sflag:s22], s20  }
0x9f: {  	s4 =	ssub.s32 $0x0, s20;
	[sflag:s22] =	ssyncset.done $0x0  }
0xa0: {  	[sflag:s22] =	ssyncadd.s32 s4;
	_ =	sdelay $0x1  }
0xa1: {  	s23 =	simm.s32 $0x1B8B  }
0xa2: {  	_ =	swait.ge [sflag:s23], $0x1  }
0xa3: {  	[sflag:s23] =	ssyncset.done $0x0  }
0xa4: {  	s25 =	simm.s32 $0x1B8E;
	s24 =	sld [smem:$0x3FFE];
	[sflag:s23] =	ssyncadd.s32 $0xFFFFFFFF  }
0xa5: {  	s26 =	simm.s32 $execute0_lowered;
	[smem:$0x3FD2] =	sst s25  }
0xa6: {  	s5 =	sshll.u32 s26, $0x1;
	_ =	strace $0x80000046;
	[dreg:$0x1] =	wrdreg $0xFFFFFFFF  }
0xa7: {  	s28 =	simm.s32 $_size_execute0_lowered;
	s3 =	sadd.s32 s3, s5;
	[dreg:$0x0] =	wrdreg $0x0  }
0xa8: {  	s5 =	sshll.u32 s28, $0x1;
	[dreg:$0x2] =	wrdreg s3  }
0xa9: {  	[dreg:$0x3] =	wrdreg s5  }
0xaa: {  	[dreg:$0x4] =	wrdreg $0xC0  }
0xab: {  	_ =	task [dreg:s7], $0x5FFFF  }
0xac: {  	[dreg:$0x1] =	wrdreg $0xFFFFFFFF  }
0xad: {  	[dreg:$0x0] =	wrdreg $0x60  }
0xae: {  	[dreg:$0x2] =	wrdreg s24  }
0xaf: {  	[dreg:$0x3] =	wrdreg s2  }
0xb0: {  	[dreg:$0x4] =	wrdreg $0x9  }
0xb1: {  	_ =	task.clear_ibuf [dreg:s7], $0x5FFFF;
	_ =	strace $0x90000046  }
0xb2: {  	s29 =	simm.s32 $0x9;
	_ =	strace $0x80000048  }
0xb3: {  	_ =	swait.ge [sflag:s29], $0x1  }
0xb4: {  	[sflag:s29] =	ssyncadd.s32 $0xFFFFFFFF  }
0xb5: {  	_ =	strace $0x90000048  }
0xb6: {  	_ =	sfence  }
0xb7: {  	s30 =	sld [smem:$0x0];
	_ =	sdelay $0x2  }
0xb8: {  	s31 =	sshll.u32 s1, $0xD;
	s1 =	sshrl.u32 s1, $0x2  }
0xb9: {  	s3 =	sand.u32 $0x4000, s31;
	s1 =	sadd.s32 s1, s30  }
0xba: {  	s0 =	sor.u32 s3, s0;
	s1 =	sshll.u32 s1, $0x11  }
0xbb: {  	s0 =	sor.u32 s1, s0  }
0xbc: {  	s0 =	sadd.s32 $0x8F2B, s0  }
0xbd: {  	[sflag:s0] =	ssyncadd.remote.s32 $0x1  }
0xbe: {  	_ =	sfence.sel $0xFFFF  }
0xbf: {  	[dreg:$0x0] =	wrdreg $0xFFFFFFFF;
	(pc) =	sbr.abs _section_cstart, $3  }
0xc0: {  	[dreg:$0x1] =	wrdreg $0xFFFFFFFF  }
0xc1: {  	_ =	task.clear_ibuf [dreg:s7], $0x2FFFF;
	_ =	strace $0x9FFFFFFF  }
0xc2: {  	(tm) =	ssettm $0x7FFFFFFF  }
0xc3: {  	_ =	shalt  }
tec
execute0_lowered:
.L_overlay_start_1:
0x0: {  	(tag) =	ssettag $0x1  }
0x1: {  	s0 =	rddreg [dreg:$0x0]  }
0x2: {  	s1 =	srdreg.scid;
	s11 =	stileid.u32  }
0x3: {  	s4 =	rddreg [dreg:$0x1];
	s2 =	simm.s32 $0x0;
	s16 =	simm.s32 $0x80  }
0x4: {  	s17 =	simm.s32 $0x6480;
	s18 =	simm.s32 $0x8480;
	s20 =	simm.s32 $0xA480  }
0x5: {  	s28 =	simm.s32 $0x1;
	s29 =	simm.s32 $0x7;
	s30 =	simm.s32 $0x2  }
0x6: {  	s31 =	simm.s32 $0x8;
	s19 =	simm.s32 $0x4;
	s8 =	smul.u32 $0xC900, s11  }
0x7: {  	s1 =	sand.u32 $0x1, s1;
	s3 =	sshll.u32 s11, $0x1;
	s26 =	smul.u32 $0x64800, s11  }
0x8: {  	[smem:$0x7FF] =	sst s2;
	s5 =	sor.u32 s1, s3;
	s10 =	smul.u32 $0x6480, s1  }
0x9: {  	_ =	strace $0x80000047;
	s7 =	ssub.s32 $0x2, s1;
	s6 =	smul.u32 $0x6480, s5  }
0xa: {  	s3 =	sadd.s32 $0x19A00, s0;
	s5 =	smul.u32 $0x192000, s5;
	s9 =	sshrl.u32 s7, $0x1  }
0xb: {  	s1 =	smul.u32 $0x32400, s1;
	s21 =	ssub.s32 s7, s9;
	s6 =	sshrl.u32 s6, $0x3  }
0xc: {  	s5 =	sshrl.u32 s5, $0x3;
	s25 =	smax.u32 s21, $0x1;
	s0 =	sadd.s32 s6, s0  }
0xd: {  	s5 =	sadd.s32 s4, s5;
	[dreg:$0x7] =	wrdreg s25;
	s0 =	sadd.s32 $0x800, s0  }
0xe: {  	s23 =	sadd.s32 s10, s8;
	s22 =	sadd.s32 $0x31800, s5;
	[dreg:$0x3] =	wrdreg s0  }
0xf: {  	s21 =	simm.s32 $0x5;
	s24 =	sadd.s32 $0x31C00, s5;
	[dreg:$0x4] =	wrdreg s22  }
0x10: {  	s6 =	simm.s32 $0x0;
	s5 =	sadd.s32 $0x32000, s5;
	[dreg:$0x5] =	wrdreg s24  }
0x11: {  	[dreg:$0x6] =	wrdreg s5;
	s0 =	sshll.u32 s23, $0x3;
	s22 =	simm.s32 $0xC480  }
.Ltmp0:
0x12: {  	s24 =	simm.s32 $0xE480;
	s23 =	simm.s32 $0x6;
	(pc) =	sbr.rel .LBB2_1-.Ltmp0, $4  }
0x13: {  	s5 =	simm.s32 $0xC;
	s0 =	sadd.s32 s4, s0;
	s4 =	sadd.s32 s26, s4  }
0x14: {  	s26 =	simm.s32 $0x10480;
	s9 =	sadd.s32 $0x1400, s0;
	s10 =	sadd.s32 $0x1000, s0  }
0x15: {  	s11 =	sadd.s32 $0xC00, s0;
	s12 =	sadd.s32 $0x800, s0;
	s13 =	sadd.s32 $0x400, s0  }
0x16: {  	s14 =	sadd.s32 s1, s4;
	s1 =	simm.s32 $0x3;
	s0 =	simm.s32 $0x9  }
.LBB2_4:
0x17: {  	_ =	swait.ge [sflag:s28], $0x2000  }
0x18: {  	[sflag:s28] =	ssyncset.done $0x0  }
0x19: {  	s4 =	rddreg [dreg:$0x4];
	[sflag:s28] =	ssyncadd.s32 $0xFFFFE000  }
0x1a: {  	[hbm4b:s4+s2] =	stream.linear.scatter [tilespmem:s17], [sflag:$0x7], $0x2000, $0x38;
	[tilespmem:$0x12480] =	vst v63  }
0x1b: {  	_ =	swait.ge [sflag:s30], $0x2000  }
0x1c: {  	[sflag:s30] =	ssyncset.done $0x0  }
0x1d: {  	s25 =	rddreg [dreg:$0x5];
	[sflag:s30] =	ssyncadd.s32 $0xFFFFE000  }
0x1e: {  	[hbm4b:s25+s2] =	stream.linear.scatter [tilespmem:s18], [sflag:$0x8], $0x2000, $0x38;
	[tilespmem:$0x12480] =	vst v63  }
0x1f: {  	_ =	swait.ge [sflag:s1], $0x2000  }
0x20: {  	[sflag:s1] =	ssyncset.done $0x0  }
0x21: {  	s8 =	simm.s32 $0xA;
	s7 =	rddreg [dreg:$0x6];
	[sflag:s1] =	ssyncadd.s32 $0xFFFFE000  }
0x22: {  	[hbm4b:s7+s2] =	stream.linear.scatter [tilespmem:s20], [sflag:$0x9], $0x2000, $0x38;
	[tilespmem:$0x12480] =	vst v63  }
0x23: {  	_ =	swait.ge [sflag:s8], $0x2000  }
0x24: {  	[sflag:s8] =	ssyncset.done $0x0  }
0x25: {  	s15 =	simm.s32 $0xB;
	[sflag:s8] =	ssyncadd.s32 $0xFFFFE000  }
0x26: {  	_ =	swait.ge [sflag:s15], $0x2000  }
0x27: {  	[sflag:s15] =	ssyncset.done $0x0  }
0x28: {  	[sflag:s15] =	ssyncadd.s32 $0xFFFFE000  }
0x29: {  	_ =	swait.ge [sflag:s5], $0x2000  }
0x2a: {  	[sflag:s5] =	ssyncset.done $0x0  }
0x2b: {  	[sflag:s5] =	ssyncadd.s32 $0xFFFFE000  }
0x2c: {  	_ =	swait.ge [sflag:s29], $0x2000  }
0x2d: {  	[sflag:s29] =	ssyncset.done $0x0  }
0x2e: {  	[sflag:s29] =	ssyncadd.s32 $0xFFFFE000  }
0x2f: {  	_ =	swait.ge [sflag:s31], $0x2000  }
0x30: {  	[sflag:s31] =	ssyncset.done $0x0  }
0x31: {  	[sflag:s31] =	ssyncadd.s32 $0xFFFFE000  }
0x32: {  	_ =	swait.ge [sflag:s0], $0x2000  }
0x33: {  	s6 =	sadd.s32 $0x1, s6;
	s25 =	rddreg [dreg:$0x7]  }
0x34: {  	p0 =	sne.s32 s6, s25  }
.Ltmp1:
0x35: {  	_ = 	snop;
	(pc) =	sbr.rel @!p0 .LBB2_5-.Ltmp1, $3  }
0x36: {  	_ =	sdelay $0x1  }
0x37: {  	[sflag:s0] =	ssyncset.done $0x0  }
0x38: {  	[sflag:s0] =	ssyncadd.s32 $0xFFFFE000  }
.LBB2_1:
0x39: {  	s4 =	rddreg [dreg:$0x3];
	s25 =	simm.s32 $0xD  }
0x3a: {  	[tilespmem:s2], [sflag:$0xD] =	stream.linear.gather [hbm4b:s4+s2], $0x6480, $0x38;
	[tilespmem:$0x12480] =	vst v63  }
0x3b: {  	_ =	swait.ge [sflag:s25], $0x6480  }
0x3c: {  	[sflag:s25] =	ssyncset.done $0x0  }
0x3d: {  	[sflag:s25] =	ssyncadd.s32 $0xFFFF9B80  }
0x3e: {  	[tilespmem:s17], [sflag:$0x1] =	stream.indirect.gather [hbm4b:s3+s16], $0x40, s2, s16, $0xb8;
	[tilespmem:$0x12480] =	vst v63  }
0x3f: {  	_ = 	snop  }
0x40: {  	[tilespmem:s18], [sflag:$0x2] =	stream.indirect.gather [hbm4b:s3+s16], $0x40, s16, s16, $0xb8;
	[tilespmem:$0x12480] =	vst v63  }
0x41: {  	s7 =	simm.s32 $0x100  }
0x42: {  	[tilespmem:s20], [sflag:$0x3] =	stream.indirect.gather [hbm4b:s3+s16], $0x40, s7, s16, $0xb8;
	[tilespmem:$0x12480] =	vst v63  }
0x43: {  	s8 =	simm.s32 $0x180  }
0x44: {  	[tilespmem:s22], [sflag:$0x4] =	stream.indirect.gather [hbm4b:s3+s16], $0x40, s8, s16, $0xb8;
	[tilespmem:$0x12480] =	vst v63  }
0x45: {  	s15 =	simm.s32 $0x200  }
0x46: {  	[tilespmem:s24], [sflag:$0x5] =	stream.indirect.gather [hbm4b:s3+s16], $0x40, s15, s16, $0xb8;
	[tilespmem:$0x12480] =	vst v63  }
0x47: {  	s25 =	simm.s32 $0x280;
	s7 =	simm.s32 $0x580;
	s8 =	simm.s32 $0x0  }
0x48: {  	[tilespmem:s26], [sflag:$0x6] =	stream.indirect.gather [hbm4b:s3+s16], $0x40, s25, s16, $0xb8;
	[tilespmem:$0x12480] =	vst v63  }
.LBB2_2:
0x49: {  	_ =	swait.ge [sflag:s28], $0x2000  }
0x4a: {  	[sflag:s28] =	ssyncset.done $0x0  }
0x4b: {  	s15 =	sadd.s32 s8, s14;
	[sflag:s28] =	ssyncadd.s32 $0xFFFFE000  }
0x4c: {  	[hbm4b:s15+s2] =	stream.linear.scatter [tilespmem:s17], [sflag:$0x7], $0x2000, $0x38;
	[tilespmem:$0x12480] =	vst v63  }
0x4d: {  	_ =	swait.ge [sflag:s29], $0x2000  }
0x4e: {  	[sflag:s29] =	ssyncset.done $0x0  }
0x4f: {  	s25 =	sadd.s32 $0xFFFFFD80, s7;
	[sflag:s29] =	ssyncadd.s32 $0xFFFFE000  }
0x50: {  	[tilespmem:s17], [sflag:$0x1] =	stream.indirect.gather [hbm4b:s3+s16], $0x40, s25, s16, $0xb8;
	[tilespmem:$0x12480] =	vst v63  }
0x51: {  	_ =	swait.ge [sflag:s30], $0x2000  }
0x52: {  	[sflag:s30] =	ssyncset.done $0x0  }
0x53: {  	s4 =	sadd.s32 s8, s13;
	[sflag:s30] =	ssyncadd.s32 $0xFFFFE000  }
0x54: {  	[hbm4b:s4+s2] =	stream.linear.scatter [tilespmem:s18], [sflag:$0x8], $0x2000, $0x38;
	[tilespmem:$0x12480] =	vst v63  }
0x55: {  	_ =	swait.ge [sflag:s31], $0x2000  }
0x56: {  	[sflag:s31] =	ssyncset.done $0x0  }
0x57: {  	s25 =	sadd.s32 $0xFFFFFE00, s7;
	[sflag:s31] =	ssyncadd.s32 $0xFFFFE000  }
0x58: {  	[tilespmem:s18], [sflag:$0x2] =	stream.indirect.gather [hbm4b:s3+s16], $0x40, s25, s16, $0xb8;
	[tilespmem:$0x12480] =	vst v63  }
0x59: {  	_ =	swait.ge [sflag:s1], $0x2000  }
0x5a: {  	[sflag:s1] =	ssyncset.done $0x0  }
0x5b: {  	s4 =	sadd.s32 s8, s12;
	[sflag:s1] =	ssyncadd.s32 $0xFFFFE000  }
0x5c: {  	[hbm4b:s4+s2] =	stream.linear.scatter [tilespmem:s20], [sflag:$0x9], $0x2000, $0x38;
	[tilespmem:$0x12480] =	vst v63  }
0x5d: {  	_ =	swait.ge [sflag:s0], $0x2000  }
0x5e: {  	[sflag:s0] =	ssyncset.done $0x0  }
0x5f: {  	s25 =	sadd.s32 $0xFFFFFE80, s7;
	[sflag:s0] =	ssyncadd.s32 $0xFFFFE000  }
0x60: {  	[tilespmem:s20], [sflag:$0x3] =	stream.indirect.gather [hbm4b:s3+s16], $0x40, s25, s16, $0xb8;
	[tilespmem:$0x12480] =	vst v63  }
0x61: {  	_ =	swait.ge [sflag:s19], $0x2000  }
0x62: {  	p0 =	seq.s32 s8, $0x30000;
	[sflag:s19] =	ssyncset.done $0x0  }
0x63: {  	s15 =	simm.s32 @!p0 $0xA;
	s4 =	sadd.s32 s8, s11;
	[sflag:s19] =	ssyncadd.s32 $0xFFFFE000  }
0x64: {  	[hbm4b:s4+s2] =	stream.linear.scatter [tilespmem:s22], [sflag:$0xA], $0x2000, $0x38;
	[tilespmem:$0x12480] =	vst v63  }
0x65: {  	_ =	swait.ge @!p0 [sflag:s15], $0x2000  }
0x66: {  	s25 =	simm.s32 @!p0 $0x80;
	[sflag:s15] =	ssyncset.done @!p0 $0x0  }
0x67: {  	s4 =	simm.s32 @!p0 $0xC480;
	[sflag:s15] =	ssyncadd.s32 @!p0 $0xFFFFE000;
	s15 =	sadd.s32 @!p0 $0xFFFFFF00, s7  }
0x68: {  	[tilespmem:s4], [sflag:$0x4] =	stream.indirect.gather @!p0 [hbm4b:s3+s25], $0x40, s15, s25, $0xb8;
	[tilespmem:$0x12480] =	vst v63  }
0x69: {  	_ =	swait.ge [sflag:s21], $0x2000  }
0x6a: {  	[sflag:s21] =	ssyncset.done $0x0  }
0x6b: {  	s15 =	sadd.s32 s8, s10;
	s4 =	simm.s32 @!p0 $0xB;
	[sflag:s21] =	ssyncadd.s32 $0xFFFFE000  }
0x6c: {  	[hbm4b:s15+s2] =	stream.linear.scatter [tilespmem:s24], [sflag:$0xB], $0x2000, $0x38;
	[tilespmem:$0x12480] =	vst v63  }
0x6d: {  	_ =	swait.ge @!p0 [sflag:s4], $0x2000  }
0x6e: {  	[sflag:s4] =	ssyncset.done @!p0 $0x0  }
0x6f: {  	s15 =	simm.s32 @!p0 $0xE480;
	[sflag:s4] =	ssyncadd.s32 @!p0 $0xFFFFE000;
	s4 =	sadd.s32 @!p0 $0xFFFFFF80, s7  }
0x70: {  	[tilespmem:s15], [sflag:$0x5] =	stream.indirect.gather @!p0 [hbm4b:s3+s25], $0x40, s4, s25, $0xb8;
	[tilespmem:$0x12480] =	vst v63  }
.Ltmp2:
0x71: {  	_ = 	snop;
	(pc) =	sbr.rel @p0 .LBB2_4-.Ltmp2, $4  }
0x72: {  	_ =	swait.ge [sflag:s23], $0x2000  }
0x73: {  	[sflag:s23] =	ssyncset.done $0x0  }
0x74: {  	s25 =	sadd.s32 s8, s9;
	[sflag:s23] =	ssyncadd.s32 $0xFFFFE000  }
0x75: {  	[hbm4b:s25+s2] =	stream.linear.scatter [tilespmem:s26], [sflag:$0xC], $0x2000, $0x38;
	[tilespmem:$0x12480] =	vst v63  }
.Ltmp3:
0x76: {  	_ =	swait.ge [sflag:s5], $0x2000;
	(pc) =	sbr.rel .LBB2_2-.Ltmp3, $4  }
0x77: {  	[sflag:s5] =	ssyncset.done $0x0  }
0x78: {  	[sflag:s5] =	ssyncadd.s32 $0xFFFFE000  }
0x79: {  	[tilespmem:s26], [sflag:$0x6] =	stream.indirect.gather [hbm4b:s3+s16], $0x40, s7, s16, $0xb8;
	[tilespmem:$0x12480] =	vst v63  }
0x7a: {  	s8 =	sadd.s32 $0x1800, s8;
	s7 =	sadd.s32 $0x300, s7  }
.LBB2_5:
0x7b: {  	_ =	sfence.sel $0x180000  }
0x7c: {  	[bflag:$0x0] =	sbarrier.arrive $0xFFFF  }
0x7d: {  	_ =	strace $0x90000047  }
0x7e: {  	s0 =	stileid.u32;
	[bflag:$0x2] =	sbarrier.arrive $0xFFFF  }
0x7f: {  	p0 =	sne.s32 s0, $0x0;
	s0 =	rddreg [dreg:$0x2]  }
0x80: {  	s0 =	sadd.s32 @!p0 $0x100000, s0  }
0x81: {  	[sflag:s0] =	ssyncadd.tile.s32 @!p0 $0x1;
	_ =	shalt  }
.Lfunc_end2:
_tile_overlayer_lowered:
.L_overlay_start_2:
0x82: {  	(tag) =	ssettag $0x2  }
0x83: {  	s0 =	rddreg [dreg:$0x0];
	s2 =	stileid.u32  }
0x84: {  	s1 =	rddreg [dreg:$0x1];
	p0 =	sne.s32 s2, $0x0  }
0x85: {  	s3 =	rddreg [dreg:$0x2];
	[bflag:$0x3] =	sbarrier.arrive $0xFFFF;
	s2 =	simm.s32 @!p0 $0x1C0D  }
0x86: {  	[timem:s3], [sflag:s2] =	dma.local @!p0 [hbm:s0], s1  }
0x87: {  	s0 =	simm.s32 @!p0 $0xD  }
0x88: {  	_ =	swait.ge @!p0 [sflag:s0], s1  }
0x89: {  	s1 =	ssub.s32 @!p0 $0x0, s1;
	[sflag:s0] =	ssyncset.done @!p0 $0x0  }
0x8a: {  	[sflag:s0] =	ssyncadd.s32 @!p0 s1  }
0x8b: {  	[bflag:$0x3] =	sbarrier.arrive $0xFFFF  }
0x8c: {  	_ =	shalt  }

// kernel: sparse-core-data-format-call.cloned.1.call-start
scs
called_computation_lowered:
.L_overlay_start_0:
0x0: {  	s2 =	sld [smem:$0x3FD9]  }
0x1: {  	s3 =	sld [smem:$0x3FFE];
	_ =	sdelay $0x1  }
0x2: {  	s1 =	srdreg.scid  }
0x3: {  	s0 =	sand.u32 $0x1, s1  }
0x4: {  	s18 =	sshll.u32 s0, $0xA;
	s2 =	sadd.s32 s3, s2  }
0x5: {  	s2 =	sadd.s32 s2, s18  }
0x6: {  	[smem:$0x3FC6] =	sst s2  }
0x7: {  	_ = 	snop  }
0x8: {  	s2 =	sld [smem:$0x3FD0];
	(tm) =	ssettm $0x1  }
0x9: {  	s19 =	sld [smem:$0x3FFB];
	_ =	sdelay $0x3  }
0xa: {  	_ =	strace s19  }
0xb: {  	s3 =	sld [smem:$0x3FFC];
	_ =	sdelay $0x3  }
0xc: {  	_ =	strace s3  }
0xd: {  	s3 =	sld [smem:$0x3FFD];
	_ =	sdelay $0x3  }
0xe: {  	_ =	strace s3  }
0xf: {  	_ =	strace $0x8FFFFFFF  }
0x10: {  	s20 =	sld [smem:$0x3FDB];
	_ =	sdelay $0x1  }
0x11: {  	s4 =	simm.s32 $_scs_section_size  }
0x12: {  	s5 =	simm.s32 $_size__tile_overlayer_lowered;
	s6 =	simm.s32 $_tile_overlayer_lowered  }
0x13: {  	s23 =	simm.s32 $0x1BFF;
	s22 =	sshll.u32 s6, $0x1;
	s3 =	sadd.s32 s4, s20  }
0x14: {  	s7 =	simm.s32 $0x0;
	s21 =	sshll.u32 s5, $0x1;
	s5 =	sadd.s32 s22, s3  }
0x15: {  	[timem:s7], [sflag:s23] =	dma.local [hbm:s5], s21  }
0x16: {  	_ =	swait.ge [sflag:s23], s21  }
0x17: {  	s4 =	ssub.s32 $0x0, s21;
	[sflag:s23] =	ssyncset.done $0x0  }
0x18: {  	[sflag:s23] =	ssyncadd.s32 s4;
	_ =	sdelay $0x1  }
0x19: {  	s24 =	simm.s32 $0x1B8B  }
0x1a: {  	_ =	swait.ge [sflag:s24], $0x1  }
0x1b: {  	[sflag:s24] =	ssyncset.done $0x0  }
0x1c: {  	s26 =	simm.s32 $0x1B8E;
	s25 =	sld [smem:$0x3FFE];
	[sflag:s24] =	ssyncadd.s32 $0xFFFFFFFF  }
0x1d: {  	s27 =	simm.s32 $execute0_lowered;
	[smem:$0x3FD2] =	sst s26  }
0x1e: {  	s5 =	sshll.u32 s27, $0x1;
	_ =	strace $0x80000049;
	[dreg:$0x1] =	wrdreg $0xFFFFFFFF  }
0x1f: {  	s28 =	simm.s32 $_size_execute0_lowered;
	s3 =	sadd.s32 s3, s5;
	[dreg:$0x0] =	wrdreg $0x0  }
0x20: {  	s5 =	sshll.u32 s28, $0x1;
	[dreg:$0x2] =	wrdreg s3  }
0x21: {  	[dreg:$0x3] =	wrdreg s5  }
0x22: {  	[dreg:$0x4] =	wrdreg $0xC0  }
0x23: {  	_ =	task [dreg:s7], $0x5FFFF  }
0x24: {  	[dreg:$0x1] =	wrdreg $0xFFFFFFFF  }
0x25: {  	[dreg:$0x0] =	wrdreg $0x60  }
0x26: {  	[dreg:$0x2] =	wrdreg s25  }
0x27: {  	[dreg:$0x3] =	wrdreg s2  }
0x28: {  	[dreg:$0x4] =	wrdreg $0x9  }
0x29: {  	_ =	task.clear_ibuf [dreg:s7], $0x5FFFF;
	_ =	strace $0x90000049  }
0x2a: {  	s29 =	simm.s32 $0x9;
	_ =	strace $0x8000004B  }
0x2b: {  	_ =	swait.ge [sflag:s29], $0x1  }
0x2c: {  	[sflag:s29] =	ssyncadd.s32 $0xFFFFFFFF  }
0x2d: {  	_ =	strace $0x9000004B  }
0x2e: {  	_ =	sfence  }
0x2f: {  	s30 =	sld [smem:$0x0];
	_ =	sdelay $0x2  }
0x30: {  	s31 =	sshll.u32 s1, $0xD;
	s1 =	sshrl.u32 s1, $0x2  }
0x31: {  	s3 =	sand.u32 $0x4000, s31;
	s1 =	sadd.s32 s1, s30  }
0x32: {  	s0 =	sor.u32 s3, s0;
	s1 =	sshll.u32 s1, $0x11  }
0x33: {  	s0 =	sor.u32 s1, s0  }
0x34: {  	s0 =	sadd.s32 $0x8F2B, s0  }
0x35: {  	[sflag:s0] =	ssyncadd.remote.s32 $0x1  }
0x36: {  	_ =	sfence.sel $0xFFFF  }
0x37: {  	[dreg:$0x0] =	wrdreg $0xFFFFFFFF;
	(pc) =	sbr.abs _section_cstart, $3  }
0x38: {  	[dreg:$0x1] =	wrdreg $0xFFFFFFFF  }
0x39: {  	_ =	task.clear_ibuf [dreg:s7], $0x2FFFF;
	_ =	strace $0x9FFFFFFF  }
0x3a: {  	(tm) =	ssettm $0x7FFFFFFF  }
0x3b: {  	_ =	shalt  }
tec
execute0_lowered:
.L_overlay_start_1:
0x0: {  	(tag) =	ssettag $0x1  }
0x1: {  	s0 =	srdreg.scid  }
0x2: {  	s1 =	sshll.u32 s0, $0x4  }
0x3: {  	s0 =	stileid.u32;
	s1 =	sand.u32 $0x10, s1  }
0x4: {  	s1 =	sor.u32 s0, s1  }
0x5: {  	s6 =	rddreg [dreg:$0x0];
	s4 =	simm.s32 $0x1;
	s2 =	sshll.u32 s1, $0x7  }
0x6: {  	s7 =	simm.s32 $0x2;
	s12 =	simm.s32 $0x0;
	s1 =	ssub.s32 $0x1000, s2  }
0x7: {  	s8 =	simm.s32 $0x8000;
	s13 =	simm.s32 $0x0;
	s3 =	sand.u32 $0xF80, s1  }
0x8: {  	s9 =	simm.s32 $0x0;
	s5 =	sshrl.u32 s1, $0xC;
	p0 =	sne.s32 s3, $0x0  }
.Ltmp0:
0x9: {  	s1 =	rddreg [dreg:$0x2];
	s4 =	simm.s32 @!p0 $0x0;
	(pc) =	sbr.rel .LBB1_1-.Ltmp0, $4  }
0xa: {  	s11 =	simm.s32 $0x0;
	s3 =	rddreg [dreg:$0x1];
	s5 =	sadd.s32 s4, s5  }
0xb: {  	_ =	strace $0x8000004A;
	s4 =	simm.s32 $0x1;
	s5 =	smul.u32 $0xC9, s5  }
0xc: {  	s6 =	sadd.s32 $0x800, s6;
	s10 =	smov.u32 s2;
	[sflag:s4] =	ssyncpa.u1 $0x0  }
0xd: {  	p0 =	por $0x0, $0x0;
	[sflag:s7] =	ssyncpa.u1 $0x0;
	s7 =	sadd.s32 $0x1, s5  }
.LBB1_4:
0xe: {  	s16 =	sshll.u32 s13, $0x3;
	s17 =	sand.u32 $0x78, s13  }
0xf: {  	s30 =	sand.u32 $0x7E00, s13;
	s12 =	sshll.u32 s12, $0xF;
	s16 =	sand.u32 $0xC00, s16  }
0x10: {  	[tilespmem:s15+$0x810 ss:$0x81] =	vst.msk $0xffff, v2;
	s31 =	sand.u32 $0x7, s13;
	s16 =	sor.u32 s17, s16;
	s17 =	sadd.s32 s3, s30  }
0x11: {  	[tilespmem:s15+$0x1020 ss:$0x81] =	vst.msk $0xffff, v0;
	s13 =	sshll.u32 s31, $0x12;
	s12 =	sadd.s32 s12, s17;
	s16 =	sshrl.u32 s16, $0x3  }
0x12: {  	[tilespmem:s15+$0x0 ss:$0x81] =	vst.msk $0xffff, v1;
	s13 =	sor.u32 $0x400, s13;
	s12 =	sadd.s32 s16, s12  }
0x13: {  	[hbm4b:s12+s13] =	stream.strided.scatter [tilespmem:s14], [sflag:$0x2], $0x2000, s8, s13, $0x20;
	[tilespmem:$0x8080] =	vst v63  }
.LBB1_5:
0x14: {  	s14 =	sadd.s32 $0x1, s9  }
0x15: {  	s12 =	sadd.s32 $0x1000, s10;
	s16 =	smov.u32 s10;
	p2 =	sgt.s32 s14, $0xC8  }
0x16: {  	s16 =	smov.u32 @p2 s12  }
0x17: {  	s14 =	simm.s32 @p2 $0x0;
	p2 =	sgt.s32 s16, $0xFFF  }
0x18: {  	s16 =	smov.u32 @p2 s2;
	p2 =	sne.s32 s11, s7  }
.Ltmp1:
0x19: {  	p1 =	slt.u32 s11, $0x2;
	(pc) =	sbr.rel @!p2 .LBB1_6-.Ltmp1, $4  }
0x1a: {  	s15 =	simm.s32 @!p1 $0x2  }
0x1b: {  	s13 =	smov.u32 s10;
	p0 =	por !p0, !p0;
	_ =	swait.ge @!p1 [sflag:s15], $0x2000  }
0x1c: {  	s12 =	smov.u32 s9;
	[sflag:s15] =	ssyncset.done @!p1 $0x0;
	s9 =	smov.u32 s14  }
0x1d: {  	s11 =	sadd.s32 $0x1, s11;
	[sflag:s15] =	ssyncadd.s32 @!p1 $0xFFFFE000;
	s10 =	smov.u32 s16  }
.LBB1_1:
0x1e: {  	p1 =	sge.u32 s11, s5  }
0x1f: {  	s14 =	sand.u32 @!p1 $0x1FFFFFF, s9  }
0x20: {  	s15 =	smulhi.u32 @!p1 $0x2762763, s14;
	_ =	sdelay $0x1  }
0x21: {  	s15 =	sshrl.u32 @!p1 s15, $0x1  }
0x22: {  	s15 =	smul.u32 @!p1 $0xD0, s15  }
0x23: {  	s16 =	sxor.u32 @!p1 $0xFFFFFFFF, s11;
	s17 =	smul.u32 @!p1 $0xD00, s10  }
0x24: {  	s31 =	sadd.s32 $0xFFFFFFFF, s11;
	s16 =	sshll.u32 @!p1 s16, $0xD;
	s14 =	ssub.s32 @!p1 s14, s15  }
0x25: {  	s15 =	sand.u32 @!p1 $0x2000, s16;
	s16 =	sadd.s32 @!p1 s6, s17;
	s14 =	sshll.u32 @!p1 s14, $0x4  }
0x26: {  	s17 =	simm.s32 @!p1 $0x6800;
	s14 =	sadd.s32 @!p1 s14, s16;
	s16 =	simm.s32 @!p1 $0x40  }
0x27: {  	[tilespmem:s15], [sflag:$0x1] =	stream.strided.gather @!p1 [hbm4b:s14+s16], $0x2000, s17, s16, $0x38;
	[tilespmem:$0x8080] =	vst v63  }
0x28: {  	p1 =	sge.u32 s31, s5  }
.Ltmp2:
0x29: {  	_ = 	snop;
	(pc) =	sbr.rel @p1 .LBB1_5-.Ltmp2, $1  }
0x2a: {  	_ =	sdelay $0x3  }
0x2b: {  	s14 =	simm.s32 $0x1  }
0x2c: {  	_ =	swait.ge [sflag:s4], $0x2000;
	s14 =	simm.s32 @!p0 $0x0  }
0x2d: {  	[sflag:s4] =	ssyncset.done $0x0;
	s15 =	sshll.u32 s14, $0xD  }
0x2e: {  	[sflag:s4] =	ssyncadd.s32 $0xFFFFE000;
	s18 =	sor.u32 $0x20, s15  }
0x2f: {  	s14 =	smul.u32 $0x8100, s14;
	v3 =	vld [tilespmem:s18+$0x10]  }
0x30: {  	s30 =	sand.u32 $0x1, s11;
	v2 =	vld [tilespmem:s18+$0xFFFFFFF0]  }
0x31: {  	s15 =	smul.u32 $0x8100, s30;
	s14 =	sshrl.u32 s14, $0x2;
	v0 =	vld [tilespmem:s18+$0x0]  }
0x32: {  	v1 =	vld [tilespmem:s18+$0xFFFFFFE0];
	s16 =	sor.u32 $0x4000, s14  }
0x33: {  	s31 =	sshrl.u32 s15, $0x2;
	s15 =	sadd.s32 $0x0, s16  }
0x34: {  	s17 =	simm.s32 $0x4;
	s18 =	sadd.s32 $0x40, s18;
	s14 =	sor.u32 $0x4000, s31;
	[tilespmem:s15+$0x1830 ss:$0x81] =	vst.msk $0xffff, v3  }
.LBB1_3:
0x35: {  	v3 =	vld [tilespmem:s18+$0x10];
	p1 =	sne.s32 s17, $0x1FC;
	[tilespmem:s15+$0x810 ss:$0x81] =	vst.msk $0xffff, v2;
	s19 =	smov.u32 s17;
	s17 =	sadd.s32 $0x4, s17  }
.Ltmp3:
0x36: {  	v2 =	vld [tilespmem:s18+$0xFFFFFFF0];
	[tilespmem:s15+$0x1020 ss:$0x81] =	vst.msk $0xffff, v0;
	(pc) =	sbr.rel @p1 .LBB1_3-.Ltmp3, $4  }
0x37: {  	v0 =	vld [tilespmem:s18+$0x0];
	[tilespmem:s15+$0x0 ss:$0x81] =	vst.msk $0xffff, v1  }
0x38: {  	s15 =	sshra.s32 s19, $0x2;
	v1 =	vld [tilespmem:s18+$0xFFFFFFE0]  }
0x39: {  	s15 =	sadd.s32 s15, s16  }
0x3a: {  	s18 =	sadd.s32 $0x40, s18;
	[tilespmem:s15+$0x1830 ss:$0x81] =	vst.msk $0xffff, v3  }
.Ltmp4:
0x3b: {  	_ = 	snop;
	(pc) =	sbr.rel .LBB1_4-.Ltmp4, $1  }
0x3c: {  	_ =	sdelay $0x3  }
.LBB1_6:
0x3d: {  	_ =	sfence.sel $0x180000  }
0x3e: {  	s2 =	simm.s32 $0x1;
	[bflag:$0x0] =	sbarrier.arrive $0xFFFF  }
0x3f: {  	s31 =	simm.s32 $0x2;
	[sflag:s2] =	ssyncpa.u1 $0x1  }
0x40: {  	[sflag:s31] =	ssyncpa.u1 $0x1  }
0x41: {  	p0 =	sne.s32 s0, $0x0;
	_ =	strace $0x9000004A  }
0x42: {  	s0 =	sadd.s32 @!p0 $0x100000, s1;
	[bflag:$0x2] =	sbarrier.arrive $0xFFFF  }
0x43: {  	[sflag:s0] =	ssyncadd.tile.s32 @!p0 $0x1;
	_ =	shalt  }
.Lfunc_end1:
_tile_overlayer_lowered:
.L_overlay_start_2:
0x44: {  	(tag) =	ssettag $0x2  }
0x45: {  	s0 =	rddreg [dreg:$0x0];
	s2 =	stileid.u32  }
0x46: {  	s1 =	rddreg [dreg:$0x1];
	p0 =	sne.s32 s2, $0x0  }
0x47: {  	s3 =	rddreg [dreg:$0x2];
	[bflag:$0x3] =	sbarrier.arrive $0xFFFF;
	s2 =	simm.s32 @!p0 $0x1C01  }
0x48: {  	[timem:s3], [sflag:s2] =	dma.local @!p0 [hbm:s0], s1  }
0x49: {  	s0 =	simm.s32 @!p0 $0x1  }
0x4a: {  	_ =	swait.ge @!p0 [sflag:s0], s1  }
0x4b: {  	s1 =	ssub.s32 @!p0 $0x0, s1;
	[sflag:s0] =	ssyncset.done @!p0 $0x0  }
0x4c: {  	[sflag:s0] =	ssyncadd.s32 @!p0 s1  }
0x4d: {  	[bflag:$0x3] =	sbarrier.arrive $0xFFFF  }
0x4e: {  	_ =	shalt  }

</sc_bundles>
